<compile_context>
chip_gen: v7x
topology: tpu7x:2x2x1
jax: 0.10.2.dev20260603
libtpu: 0.0.44.dev20260713+nightly
codegen_flags: <defaults>
</compile_context>

<pallas_src>
import jax
import jax.numpy as jnp
from jax import lax
from jax.experimental import pallas as pl
from jax.experimental.pallas import tpu as pltpu
from jax.experimental.pallas import tpu_sc as plsc

NU = 6000
NI = 4000
NN = NU + NI
NNP = 10240
NPAD = NNP - NN
NE = 320000
D = 128
ALPHA = 0.1
BETA = 0.9

NC = 2
NS = 16
EB = 128
NQ = 4
QB = 40
NBLK = NQ * QB
EPS = NBLK * EB
NEP = NS * EPS
PAD_SRC = 6015
PAD_DST = 4064

RU = 6016
RI = 4096
BN = RU + RI
UPS = RU // NS
IPS = RI // NS
DEGN = 6144
DEGPS = DEGN // NS

_mesh = plsc.VectorSubcoreMesh(
    core_axis_name="c", subcore_axis_name="s", num_cores=NC, num_subcores=NS
)


def _deg_body(edges_hbm, ones_hbm, zeros_hbm, out_hbm, idx_v, ones_v, deg_sh):
    c = lax.axis_index("c")
    s = lax.axis_index("s")
    pltpu.sync_copy(zeros_hbm.at[pl.ds(s * DEGPS, DEGPS)],
                    deg_sh.at[pl.ds(s * DEGPS, DEGPS)])
    pltpu.sync_copy(ones_hbm, ones_v)
    pltpu.sync_copy(edges_hbm.at[s], idx_v)
    plsc.subcore_barrier()

    def blk(j, carry):
        pltpu.sync_copy(ones_v, deg_sh.at[idx_v.at[c, j]], add=True)
        return carry

    lax.fori_loop(0, NBLK, blk, 0)
    plsc.subcore_barrier()
    pltpu.sync_copy(deg_sh.at[pl.ds(s * DEGPS, DEGPS)],
                    out_hbm.at[c, pl.ds(s * DEGPS, DEGPS)])


_deg_call = pl.kernel(
    _deg_body,
    out_type=jax.ShapeDtypeStruct((NC, DEGN), jnp.float32),
    mesh=_mesh,
    scratch_types=[
        pltpu.VMEM((2, NBLK, EB), jnp.int32),
        pltpu.VMEM((EB,), jnp.float32),
        pltpu.VMEM_SHARED((DEGN,), jnp.float32),
    ],
)


def _prop_body(edges_hbm, table_hbm, zeros_hbm, out_hbm, idx_v, buf, sem_a,
               sem_b, b_sh):
    c = lax.axis_index("c")
    s = lax.axis_index("s")

    @pl.when(c == 0)
    def _c0():
        pltpu.sync_copy(zeros_hbm.at[pl.ds(s * UPS, UPS)],
                        b_sh.at[pl.ds(s * UPS, UPS)])
        pltpu.sync_copy(table_hbm.at[pl.ds(NU + s * IPS, IPS)],
                        b_sh.at[pl.ds(RU + s * IPS, IPS)])

    @pl.when(c == 1)
    def _c1():
        pltpu.sync_copy(table_hbm.at[pl.ds(s * UPS, UPS)],
                        b_sh.at[pl.ds(s * UPS, UPS)])
        pltpu.sync_copy(zeros_hbm.at[pl.ds(s * IPS, IPS)],
                        b_sh.at[pl.ds(RU + s * IPS, IPS)])

    plsc.subcore_barrier()

    buf_a = buf.at[0]
    buf_b = buf.at[1]

    def quarter(q, carry):
        pltpu.sync_copy(edges_hbm.at[c, s, q], idx_v)
        pltpu.async_copy(b_sh.at[idx_v.at[0, 0]], buf_a, sem_a)

        def pair(p, cc):
            ja = 2 * p
            jb = 2 * p + 1
            pltpu.async_copy(b_sh.at[idx_v.at[0, jb]], buf_b, sem_b)
            pltpu.make_async_copy(b_sh.at[idx_v.at[0, ja]], buf_a, sem_a).wait()
            pltpu.sync_copy(buf_a, b_sh.at[idx_v.at[1, ja]], add=True)

            @pl.when(p < QB // 2 - 1)
            def _next():
                pltpu.async_copy(b_sh.at[idx_v.at[0, ja + 2]], buf_a, sem_a)

            pltpu.make_async_copy(b_sh.at[idx_v.at[0, jb]], buf_b, sem_b).wait()
            pltpu.sync_copy(buf_b, b_sh.at[idx_v.at[1, jb]], add=True)
            return cc

        lax.fori_loop(0, QB // 2, pair, 0)
        return carry

    lax.fori_loop(0, NQ, quarter, 0)
    plsc.subcore_barrier()

    @pl.when(c == 0)
    def _w0():
        pltpu.sync_copy(b_sh.at[pl.ds(s * UPS, UPS)],
                        out_hbm.at[c, pl.ds(s * UPS, UPS)])

    @pl.when(c == 1)
    def _w1():
        pltpu.sync_copy(b_sh.at[pl.ds(RU + s * IPS, IPS)],
                        out_hbm.at[c, pl.ds(s * IPS, IPS)])


_prop_call = pl.kernel(
    _prop_body,
    out_type=jax.ShapeDtypeStruct((NC, RU, D), jnp.float32),
    mesh=_mesh,
    scratch_types=[
        pltpu.VMEM((2, QB, EB), jnp.int32),
        pltpu.VMEM((2, EB, D), jnp.float32),
        pltpu.SemaphoreType.DMA,
        pltpu.SemaphoreType.DMA,
        pltpu.VMEM_SHARED((BN, D), jnp.float32),
    ],
)


RB = 1024
GRID = NNP // RB


def _prep_body(deg_ref, h0_ref, dinv_ref, hbar_ref):
    dinv = lax.rsqrt(jnp.maximum(deg_ref[...], 1.0))
    dinv_ref[...] = dinv
    hbar_ref[...] = h0_ref[...] * dinv


_prep_call = pl.pallas_call(
    _prep_body,
    grid=(GRID,),
    in_specs=[
        pl.BlockSpec((RB, 1), lambda i: (i, 0)),
        pl.BlockSpec((RB, D), lambda i: (i, 0)),
    ],
    out_specs=[
        pl.BlockSpec((RB, 1), lambda i: (i, 0)),
        pl.BlockSpec((RB, D), lambda i: (i, 0)),
    ],
    out_shape=[
        jax.ShapeDtypeStruct((NNP, 1), jnp.float32),
        jax.ShapeDtypeStruct((NNP, D), jnp.float32),
    ],
)


def _upd1_body(raw_ref, h0_ref, dinv_ref, accout_ref, hbar_ref):
    dinv = dinv_ref[...]
    h = ALPHA * h0_ref[...] + BETA * (raw_ref[...] * dinv)
    accout_ref[...] = h0_ref[...] + h
    hbar_ref[...] = h * dinv


def _upd2_body(raw_ref, h0_ref, acc_ref, dinv_ref, fin_ref):
    dinv = dinv_ref[...]
    h = ALPHA * h0_ref[...] + BETA * (raw_ref[...] * dinv)
    fin_ref[...] = (acc_ref[...] + h) * (1.0 / 3.0)


_spec_d = pl.BlockSpec((RB, D), lambda i: (i, 0))
_spec_1 = pl.BlockSpec((RB, 1), lambda i: (i, 0))

_upd1_call = pl.pallas_call(
    _upd1_body,
    grid=(GRID,),
    in_specs=[_spec_d, _spec_d, _spec_1],
    out_specs=[_spec_d, _spec_d],
    out_shape=[
        jax.ShapeDtypeStruct((NNP, D), jnp.float32),
        jax.ShapeDtypeStruct((NNP, D), jnp.float32),
    ],
)

_upd2_call = pl.pallas_call(
    _upd2_body,
    grid=(GRID,),
    in_specs=[_spec_d, _spec_d, _spec_d, _spec_1],
    out_specs=_spec_d,
    out_shape=jax.ShapeDtypeStruct((NNP, D), jnp.float32),
)


def kernel(g, user_embeddings, item_v_feat, item_t_feat, item_embeddings,
           W_t, b_t, gamma_t, beta_t, a_t, W_v, b_v, gamma_v, beta_v, a_v):
    src = jnp.concatenate(
        [g[0].astype(jnp.int32), jnp.full((NEP - NE,), PAD_SRC, jnp.int32)])
    dst = jnp.concatenate(
        [g[1].astype(jnp.int32), jnp.full((NEP - NE,), PAD_DST, jnp.int32)])
    edges_deg = jnp.concatenate(
        [src.reshape(NS, 1, NBLK, EB), dst.reshape(NS, 1, NBLK, EB)], axis=1
    )
    src_q = src.reshape(NS, 1, NQ, 1, QB, EB)
    dst_q = dst.reshape(NS, 1, NQ, 1, QB, EB)
    core0 = jnp.concatenate([dst_q + RU, src_q], axis=3)
    core1 = jnp.concatenate([src_q, dst_q + RU], axis=3)
    edges_prop = jnp.concatenate([core0, core1], axis=1).transpose(1, 0, 2, 3, 4, 5)

    h0 = jnp.concatenate(
        [user_embeddings, item_embeddings,
         jnp.zeros((NPAD, D), jnp.float32)], axis=0)
    ones_eb = jnp.ones((EB,), jnp.float32)
    zeros_deg = jnp.zeros((DEGN,), jnp.float32)
    zeros_tab = jnp.zeros((RU, D), jnp.float32)

    deg_parts = _deg_call(edges_deg, ones_eb, zeros_deg)
    deg = jnp.concatenate(
        [deg_parts[0, :NU, None], deg_parts[1, :NI, None],
         jnp.zeros((NPAD, 1), jnp.float32)], axis=0)
    dinv, hbar = _prep_call(deg, h0)

    def raw_of(parts):
        return jnp.concatenate(
            [parts[0, :NU], parts[1, :NI],
             jnp.zeros((NPAD, D), jnp.float32)], axis=0)

    parts = _prop_call(edges_prop, hbar, zeros_tab)
    acc, hbar = _upd1_call(raw_of(parts), h0, dinv)
    parts = _prop_call(edges_prop, hbar, zeros_tab)
    fin = _upd2_call(raw_of(parts), h0, acc, dinv)
    return fin[:NN]

# --- scband reference (transcript-rebuilt; emitter-appended) ---
"""Pipeline reference for scband-mmmgdcf-19774029431211 (READ-ONLY COPY).

The authoritative reference and input builder live on the scoring server;
editing this copy changes nothing except your own understanding.
"""

import jax, jax.numpy as jnp
import numpy as np

NUM_USERS = 6000
NUM_ITEMS = 4000
NUM_EDGES = 320000
D = 128
K_E = 2
ALPHA = 0.1
BETA = 0.9
T_IN = 384
V_IN = 512


def setup_inputs(seed: int = 0) -> dict:
    key = jax.random.key(seed)
    ks = jax.random.split(key, 18)
    src = jax.random.randint(ks[0], (NUM_EDGES,), 0, NUM_USERS)
    dst = jax.random.randint(ks[1], (NUM_EDGES,), 0, NUM_ITEMS)
    g = jnp.stack([src, dst], axis=0)
    return {
        "g": g,
        "user_embeddings": jax.random.normal(ks[2], (NUM_USERS, D), dtype=jnp.float32),
        "item_v_feat": jax.random.normal(ks[3], (NUM_ITEMS, V_IN), dtype=jnp.float32),
        "item_t_feat": jax.random.normal(ks[4], (NUM_ITEMS, T_IN), dtype=jnp.float32),
        "item_embeddings": jax.random.normal(ks[5], (NUM_ITEMS, D), dtype=jnp.float32),
        "W_t": jax.random.normal(ks[6], (T_IN, D), dtype=jnp.float32) / np.sqrt(T_IN),
        "b_t": jnp.zeros((D,), dtype=jnp.float32),
        "gamma_t": jnp.ones((D,), dtype=jnp.float32),
        "beta_t": jnp.zeros((D,), dtype=jnp.float32),
        "a_t": jnp.asarray(0.25, dtype=jnp.float32),
        "W_v": jax.random.normal(ks[7], (V_IN, D), dtype=jnp.float32) / np.sqrt(V_IN),
        "b_v": jnp.zeros((D,), dtype=jnp.float32),
        "gamma_v": jnp.ones((D,), dtype=jnp.float32),
        "beta_v": jnp.zeros((D,), dtype=jnp.float32),
        "a_v": jnp.asarray(0.25, dtype=jnp.float32),
    }


def _mlp(x, W, b, gamma, beta_p, a):
    # MyMLP single output layer: Linear -> BN (batch stats) -> PReLU; dropout is identity in eval
    y = x @ W + b
    mean = jnp.mean(y, axis=0)
    var = jnp.var(y, axis=0)
    y = (y - mean) / jnp.sqrt(var + 1e-5) * gamma + beta_p
    return jnp.where(y >= 0, y, a * y)


def _temporal_lightgcn(g, user_h0, item_h0):
    # MGDCF-style Markov diffusion over symmetric-normalized bipartite graph
    src, dst = g[0], g[1]
    deg_u = jnp.clip(jnp.zeros((NUM_USERS,), dtype=jnp.float32).at[src].add(1.0), 1.0)
    deg_i = jnp.clip(jnp.zeros((NUM_ITEMS,), dtype=jnp.float32).at[dst].add(1.0), 1.0)
    norm = 1.0 / jnp.sqrt(deg_u[src] * deg_i[dst])
    u, it = user_h0, item_h0
    u_acc, i_acc = user_h0, item_h0
    for _ in range(K_E):
        msg_u = jax.ops.segment_sum(it[dst] * norm[:, None], src, num_segments=NUM_USERS)
        msg_i = jax.ops.segment_sum(u[src] * norm[:, None], dst, num_segments=NUM_ITEMS)
        u = ALPHA * user_h0 + BETA * msg_u
        it = ALPHA * item_h0 + BETA * msg_i
        u_acc = u_acc + u
        i_acc = i_acc + it
    return u_acc / (K_E + 1), i_acc / (K_E + 1)


def reference(g, user_embeddings, item_v_feat, item_t_feat, item_embeddings, W_t, b_t, gamma_t, beta_t, a_t, W_v, b_v, gamma_v, beta_v, a_v):
    # encoded_t / encoded_v computed as in the torch forward (unused when return_all=False)
    encoded_t = _mlp(item_t_feat, W_t, b_t, gamma_t, beta_t, a_t)
    encoded_v = _mlp(item_v_feat, W_v, b_v, gamma_v, beta_v, a_v)
    # dropouts are identity in eval mode
    user_out, item_out = _temporal_lightgcn(g, user_embeddings, item_embeddings)
    combined_h = jnp.concatenate([user_out, item_out], axis=0)
    return combined_h

if __name__ == "__main__":
    import jax
    _d = setup_inputs()
    print(jax.jit(kernel)(*tuple(_d.values())))

</pallas_src>

<mosaic_0001>
#map = affine_map<(d0, d1) -> (0, 0, 0, 0)>
#map1 = affine_map<(d0, d1) -> (0)>
#map2 = affine_map<(d0, d1) -> (0, 0)>
module attributes {stable_mosaic.version = 14 : i64} {
  func.func @_deg_body(%arg0: i32, %arg1: i32, %arg2: memref<16x2x160x128xi32, #tpu.memory_space<hbm>>, %arg3: memref<128xf32, #tpu.memory_space<hbm>>, %arg4: memref<6144xf32, #tpu.memory_space<hbm>>, %arg5: memref<2x6144xf32, #tpu.memory_space<hbm>>, %arg6: memref<2x160x128xi32, #tpu.memory_space<vmem>>, %arg7: memref<128xf32, #tpu.memory_space<vmem>>, %arg8: memref<6144xf32, #tpu.memory_space<vmem_shared>>) attributes {dimension_semantics = [#tpu.dimension_semantics<core_parallel>, #tpu.dimension_semantics<subcore_parallel>], iteration_bounds = array<i64: 2, 16>, scalar_prefetch = 0 : i64, scratch_operands = 3 : i64, tpu.core_type = #tpu.core_type<sc_vector_subcore>, window_params = [{transform_indices = #map}, {transform_indices = #map1}, {transform_indices = #map1}, {transform_indices = #map2}]} {
    %mul3A = arith.constant 384 : i32
    %mul3A_0 = arith.muli %arg1, %mul3A : i32
    %mul3A_1 = arith.constant 384 : i32
    %mul3A_2 = arith.muli %arg1, %mul3A_1 : i32
    "tpu.region"() ({
      %run_scoped3A = tpu.sem_alloc : memref<!tpu.dma_semaphore, #tpu.memory_space<semaphore_mem>>
      %dma_start3A = tpu.memref_slice %arg8[%mul3A_2] : memref<6144xf32, #tpu.memory_space<vmem_shared>> -> memref<384xf32, #tpu.memory_space<vmem_shared>>
      %dma_start3A_13 = tpu.memref_slice %arg4[%mul3A_0] : memref<6144xf32, #tpu.memory_space<hbm>> -> memref<384xf32, #tpu.memory_space<hbm>>
      tpu.enqueue_dma source(%dma_start3A_13 : memref<384xf32, #tpu.memory_space<hbm>>) target(%dma_start3A : memref<384xf32, #tpu.memory_space<vmem_shared>>) target_semaphore(%run_scoped3A : memref<!tpu.dma_semaphore, #tpu.memory_space<semaphore_mem>>)
      %dma_wait3A = tpu.memref_slice %arg8[%mul3A_2] : memref<6144xf32, #tpu.memory_space<vmem_shared>> -> memref<384xf32, #tpu.memory_space<vmem_shared>>
      %dma_wait3A_14 = tpu.memref_slice %arg4[%mul3A_0] : memref<6144xf32, #tpu.memory_space<hbm>> -> memref<384xf32, #tpu.memory_space<hbm>>
      tpu.wait_dma2 semaphore(%run_scoped3A : memref<!tpu.dma_semaphore, #tpu.memory_space<semaphore_mem>>) src(%dma_wait3A_14 : memref<384xf32, #tpu.memory_space<hbm>>) dst(%dma_wait3A : memref<384xf32, #tpu.memory_space<vmem_shared>>)
      tpu.yield
    }) : () -> ()
    "tpu.region"() ({
      %run_scoped3A = tpu.sem_alloc : memref<!tpu.dma_semaphore, #tpu.memory_space<semaphore_mem>>
      tpu.enqueue_dma source(%arg3 : memref<128xf32, #tpu.memory_space<hbm>>) target(%arg7 : memref<128xf32, #tpu.memory_space<vmem>>) target_semaphore(%run_scoped3A : memref<!tpu.dma_semaphore, #tpu.memory_space<semaphore_mem>>)
      tpu.wait_dma2 semaphore(%run_scoped3A : memref<!tpu.dma_semaphore, #tpu.memory_space<semaphore_mem>>) src(%arg3 : memref<128xf32, #tpu.memory_space<hbm>>) dst(%arg7 : memref<128xf32, #tpu.memory_space<vmem>>)
      tpu.yield
    }) : () -> ()
    "tpu.region"() ({
      %run_scoped3A = tpu.sem_alloc : memref<!tpu.dma_semaphore, #tpu.memory_space<semaphore_mem>>
      %dma_start3A = arith.constant 0 : i32
      %dma_start3A_13 = arith.constant 0 : i32
      %dma_start3A_14 = arith.constant 0 : i32
      %dma_start3A_15 = tpu.memref_slice %arg2[%arg1, %dma_start3A, %dma_start3A_13, %dma_start3A_14] : memref<16x2x160x128xi32, #tpu.memory_space<hbm>> -> memref<1x2x160x128xi32, #tpu.memory_space<hbm>>
      %dma_start3A_16 = tpu.memref_squeeze %dma_start3A_15 : memref<1x2x160x128xi32, #tpu.memory_space<hbm>> -> memref<2x160x128xi32, #tpu.memory_space<hbm>>
      %dma_start3A_17 = arith.constant 0 : i32
      %dma_start3A_18 = arith.constant 0 : i32
      %dma_start3A_19 = arith.constant 0 : i32
      %dma_start3A_20 = tpu.memref_slice %arg2[%arg1, %dma_start3A_17, %dma_start3A_18, %dma_start3A_19] : memref<16x2x160x128xi32, #tpu.memory_space<hbm>> -> memref<1x2x160x128xi32, #tpu.memory_space<hbm>>
      %dma_start3A_21 = tpu.memref_squeeze %dma_start3A_20 : memref<1x2x160x128xi32, #tpu.memory_space<hbm>> -> memref<2x160x128xi32, #tpu.memory_space<hbm>>
      tpu.enqueue_dma source(%dma_start3A_21 : memref<2x160x128xi32, #tpu.memory_space<hbm>>) target(%arg6 : memref<2x160x128xi32, #tpu.memory_space<vmem>>) target_semaphore(%run_scoped3A : memref<!tpu.dma_semaphore, #tpu.memory_space<semaphore_mem>>)
      %dma_wait3A = arith.constant 0 : i32
      %dma_wait3A_22 = arith.constant 0 : i32
      %dma_wait3A_23 = arith.constant 0 : i32
      %dma_wait3A_24 = tpu.memref_slice %arg2[%arg1, %dma_wait3A, %dma_wait3A_22, %dma_wait3A_23] : memref<16x2x160x128xi32, #tpu.memory_space<hbm>> -> memref<1x2x160x128xi32, #tpu.memory_space<hbm>>
      %dma_wait3A_25 = tpu.memref_squeeze %dma_wait3A_24 : memref<1x2x160x128xi32, #tpu.memory_space<hbm>> -> memref<2x160x128xi32, #tpu.memory_space<hbm>>
      %dma_wait3A_26 = arith.constant 0 : i32
      %dma_wait3A_27 = arith.constant 0 : i32
      %dma_wait3A_28 = arith.constant 0 : i32
      %dma_wait3A_29 = tpu.memref_slice %arg2[%arg1, %dma_wait3A_26, %dma_wait3A_27, %dma_wait3A_28] : memref<16x2x160x128xi32, #tpu.memory_space<hbm>> -> memref<1x2x160x128xi32, #tpu.memory_space<hbm>>
      %dma_wait3A_30 = tpu.memref_squeeze %dma_wait3A_29 : memref<1x2x160x128xi32, #tpu.memory_space<hbm>> -> memref<2x160x128xi32, #tpu.memory_space<hbm>>
      tpu.wait_dma2 semaphore(%run_scoped3A : memref<!tpu.dma_semaphore, #tpu.memory_space<semaphore_mem>>) src(%dma_wait3A_30 : memref<2x160x128xi32, #tpu.memory_space<hbm>>) dst(%arg6 : memref<2x160x128xi32, #tpu.memory_space<vmem>>)
      tpu.yield
    }) : () -> ()
    %barrier3A = arith.constant 0 : index
    tpu.barrier barrier_id(%barrier3A)
    %scan3A = arith.constant 0 : i32
    %scan3A_3 = arith.constant 0 : i32
    %scan3A_4 = arith.constant 160 : i32
    %scan3A_5 = arith.addi %scan3A_3, %scan3A_4 : i32
    %scan3A_6 = arith.constant 1 : i32
    scf.for %scan3A_13 = %scan3A_3 to %scan3A_5 step %scan3A_6  : i32 {
      "tpu.region"() ({
        %run_scoped3A = tpu.sem_alloc : memref<!tpu.dma_semaphore, #tpu.memory_space<semaphore_mem>>
        %dma_start3A = arith.constant 0 : i32
        %dma_start3A_14 = tpu.memref_slice %arg6[%arg0, %scan3A_13, %dma_start3A] : memref<2x160x128xi32, #tpu.memory_space<vmem>> -> memref<1x1x128xi32, #tpu.memory_space<vmem>>
        %dma_start3A_15 = tpu.memref_squeeze %dma_start3A_14 : memref<1x1x128xi32, #tpu.memory_space<vmem>> -> memref<128xi32, #tpu.memory_space<vmem>>
        %dma_start3A_16 = arith.constant 0 : i32
        %dma_start3A_17 = tpu.memref_slice %arg8[%dma_start3A_16] : memref<6144xf32, #tpu.memory_space<vmem_shared>> -> memref<6144xf32, #tpu.memory_space<vmem_shared>>
        tpu.enqueue_indirect_dma source(%arg7 : memref<128xf32, #tpu.memory_space<vmem>>) target(%dma_start3A_17 : memref<6144xf32, #tpu.memory_space<vmem_shared>>) offsets(%dma_start3A_15 : memref<128xi32, #tpu.memory_space<vmem>>) semaphore(%run_scoped3A : memref<!tpu.dma_semaphore, #tpu.memory_space<semaphore_mem>>) {add = true}
        %dma_wait3A = arith.constant 0 : i32
        %dma_wait3A_18 = tpu.memref_slice %arg6[%arg0, %scan3A_13, %dma_wait3A] : memref<2x160x128xi32, #tpu.memory_space<vmem>> -> memref<1x1x128xi32, #tpu.memory_space<vmem>>
        %dma_wait3A_19 = tpu.memref_squeeze %dma_wait3A_18 : memref<1x1x128xi32, #tpu.memory_space<vmem>> -> memref<128xi32, #tpu.memory_space<vmem>>
        %dma_wait3A_20 = arith.constant 0 : i32
        %dma_wait3A_21 = tpu.memref_slice %arg8[%dma_wait3A_20] : memref<6144xf32, #tpu.memory_space<vmem_shared>> -> memref<6144xf32, #tpu.memory_space<vmem_shared>>
        tpu.wait_indirect_dma semaphore(%run_scoped3A : memref<!tpu.dma_semaphore, #tpu.memory_space<semaphore_mem>>) src(%arg7 : memref<128xf32, #tpu.memory_space<vmem>>) dst(%dma_wait3A_21 : memref<6144xf32, #tpu.memory_space<vmem_shared>>)
        tpu.yield
      }) : () -> ()
    }
    %scan3A_7 = arith.constant 160 : i32
    %barrier3A_8 = arith.constant 0 : index
    tpu.barrier barrier_id(%barrier3A_8)
    %mul3A_9 = arith.constant 384 : i32
    %mul3A_10 = arith.muli %arg1, %mul3A_9 : i32
    %mul3A_11 = arith.constant 384 : i32
    %mul3A_12 = arith.muli %arg1, %mul3A_11 : i32
    "tpu.region"() ({
      %run_scoped3A = tpu.sem_alloc : memref<!tpu.dma_semaphore, #tpu.memory_space<semaphore_mem>>
      %dma_start3A = tpu.memref_slice %arg5[%arg0, %mul3A_12] : memref<2x6144xf32, #tpu.memory_space<hbm>> -> memref<1x384xf32, #tpu.memory_space<hbm>>
      %dma_start3A_13 = tpu.memref_squeeze %dma_start3A : memref<1x384xf32, #tpu.memory_space<hbm>> -> memref<384xf32, #tpu.memory_space<hbm>>
      %dma_start3A_14 = tpu.memref_slice %arg8[%mul3A_10] : memref<6144xf32, #tpu.memory_space<vmem_shared>> -> memref<384xf32, #tpu.memory_space<vmem_shared>>
      tpu.enqueue_dma source(%dma_start3A_14 : memref<384xf32, #tpu.memory_space<vmem_shared>>) target(%dma_start3A_13 : memref<384xf32, #tpu.memory_space<hbm>>) target_semaphore(%run_scoped3A : memref<!tpu.dma_semaphore, #tpu.memory_space<semaphore_mem>>)
      %dma_wait3A = tpu.memref_slice %arg5[%arg0, %mul3A_12] : memref<2x6144xf32, #tpu.memory_space<hbm>> -> memref<1x384xf32, #tpu.memory_space<hbm>>
      %dma_wait3A_15 = tpu.memref_squeeze %dma_wait3A : memref<1x384xf32, #tpu.memory_space<hbm>> -> memref<384xf32, #tpu.memory_space<hbm>>
      %dma_wait3A_16 = tpu.memref_slice %arg8[%mul3A_10] : memref<6144xf32, #tpu.memory_space<vmem_shared>> -> memref<384xf32, #tpu.memory_space<vmem_shared>>
      tpu.wait_dma2 semaphore(%run_scoped3A : memref<!tpu.dma_semaphore, #tpu.memory_space<semaphore_mem>>) src(%dma_wait3A_16 : memref<384xf32, #tpu.memory_space<vmem_shared>>) dst(%dma_wait3A_15 : memref<384xf32, #tpu.memory_space<hbm>>)
      tpu.yield
    }) : () -> ()
    return
  }
}

#map = affine_map<(d0, d1) -> (0, 0, 0, 0, 0, 0)>
#map1 = affine_map<(d0, d1) -> (0, 0)>
#map2 = affine_map<(d0, d1) -> (0, 0, 0)>
module attributes {stable_mosaic.version = 14 : i64} {
  func.func @_prop_body(%arg0: i32, %arg1: i32, %arg2: memref<2x16x4x2x40x128xi32, #tpu.memory_space<hbm>>, %arg3: memref<10240x128xf32, #tpu.memory_space<hbm>>, %arg4: memref<6016x128xf32, #tpu.memory_space<hbm>>, %arg5: memref<2x6016x128xf32, #tpu.memory_space<hbm>>, %arg6: memref<2x40x128xi32, #tpu.memory_space<vmem>>, %arg7: memref<2x128x128xf32, #tpu.memory_space<vmem>>, %arg8: memref<!tpu.dma_semaphore, #tpu.memory_space<semaphore_mem>>, %arg9: memref<!tpu.dma_semaphore, #tpu.memory_space<semaphore_mem>>, %arg10: memref<10112x128xf32, #tpu.memory_space<vmem_shared>>) attributes {dimension_semantics = [#tpu.dimension_semantics<core_parallel>, #tpu.dimension_semantics<subcore_parallel>], iteration_bounds = array<i64: 2, 16>, scalar_prefetch = 0 : i64, scratch_operands = 5 : i64, tpu.core_type = #tpu.core_type<sc_vector_subcore>, window_params = [{transform_indices = #map}, {transform_indices = #map1}, {transform_indices = #map1}, {transform_indices = #map2}]} {
    %eq3A = arith.constant 0 : i32
    %eq3A_0 = arith.cmpi eq, %arg0, %eq3A : i32
    %convert_element_type3A = arith.extui %eq3A_0 : i1 to i32
    %cond3A = arith.constant 0 : i32
    %cond3A_1 = arith.cmpi ne, %convert_element_type3A, %cond3A : i32
    scf.if %cond3A_1 {
      %mul3A = arith.constant 376 : i32
      %mul3A_25 = arith.muli %arg1, %mul3A : i32
      %mul3A_26 = arith.constant 376 : i32
      %mul3A_27 = arith.muli %arg1, %mul3A_26 : i32
      "tpu.region"() ({
        %run_scoped3A = tpu.sem_alloc : memref<!tpu.dma_semaphore, #tpu.memory_space<semaphore_mem>>
        %dma_start3A = arith.constant 0 : i32
        %dma_start3A_35 = tpu.memref_slice %arg10[%mul3A_27, %dma_start3A] : memref<10112x128xf32, #tpu.memory_space<vmem_shared>> -> memref<376x128xf32, #tpu.memory_space<vmem_shared>>
        %dma_start3A_36 = arith.constant 0 : i32
        %dma_start3A_37 = tpu.memref_slice %arg4[%mul3A_25, %dma_start3A_36] : memref<6016x128xf32, #tpu.memory_space<hbm>> -> memref<376x128xf32, #tpu.memory_space<hbm>>
        tpu.enqueue_dma source(%dma_start3A_37 : memref<376x128xf32, #tpu.memory_space<hbm>>) target(%dma_start3A_35 : memref<376x128xf32, #tpu.memory_space<vmem_shared>>) target_semaphore(%run_scoped3A : memref<!tpu.dma_semaphore, #tpu.memory_space<semaphore_mem>>)
        %dma_wait3A = arith.constant 0 : i32
        %dma_wait3A_38 = tpu.memref_slice %arg10[%mul3A_27, %dma_wait3A] : memref<10112x128xf32, #tpu.memory_space<vmem_shared>> -> memref<376x128xf32, #tpu.memory_space<vmem_shared>>
        %dma_wait3A_39 = arith.constant 0 : i32
        %dma_wait3A_40 = tpu.memref_slice %arg4[%mul3A_25, %dma_wait3A_39] : memref<6016x128xf32, #tpu.memory_space<hbm>> -> memref<376x128xf32, #tpu.memory_space<hbm>>
        tpu.wait_dma2 semaphore(%run_scoped3A : memref<!tpu.dma_semaphore, #tpu.memory_space<semaphore_mem>>) src(%dma_wait3A_40 : memref<376x128xf32, #tpu.memory_space<hbm>>) dst(%dma_wait3A_38 : memref<376x128xf32, #tpu.memory_space<vmem_shared>>)
        tpu.yield
      }) : () -> ()
      %mul3A_28 = arith.constant 256 : i32
      %mul3A_29 = arith.muli %arg1, %mul3A_28 : i32
      %add3A = arith.constant 6000 : i32
      %add3A_30 = arith.addi %add3A, %mul3A_29 : i32
      %mul3A_31 = arith.constant 256 : i32
      %mul3A_32 = arith.muli %arg1, %mul3A_31 : i32
      %add3A_33 = arith.constant 6016 : i32
      %add3A_34 = arith.addi %add3A_33, %mul3A_32 : i32
      "tpu.region"() ({
        %run_scoped3A = tpu.sem_alloc : memref<!tpu.dma_semaphore, #tpu.memory_space<semaphore_mem>>
        %dma_start3A = arith.constant 0 : i32
        %dma_start3A_35 = tpu.memref_slice %arg10[%add3A_34, %dma_start3A] : memref<10112x128xf32, #tpu.memory_space<vmem_shared>> -> memref<256x128xf32, #tpu.memory_space<vmem_shared>>
        %dma_start3A_36 = arith.constant 0 : i32
        %dma_start3A_37 = tpu.memref_slice %arg3[%add3A_30, %dma_start3A_36] : memref<10240x128xf32, #tpu.memory_space<hbm>> -> memref<256x128xf32, #tpu.memory_space<hbm>>
        tpu.enqueue_dma source(%dma_start3A_37 : memref<256x128xf32, #tpu.memory_space<hbm>>) target(%dma_start3A_35 : memref<256x128xf32, #tpu.memory_space<vmem_shared>>) target_semaphore(%run_scoped3A : memref<!tpu.dma_semaphore, #tpu.memory_space<semaphore_mem>>)
        %dma_wait3A = arith.constant 0 : i32
        %dma_wait3A_38 = tpu.memref_slice %arg10[%add3A_34, %dma_wait3A] : memref<10112x128xf32, #tpu.memory_space<vmem_shared>> -> memref<256x128xf32, #tpu.memory_space<vmem_shared>>
        %dma_wait3A_39 = arith.constant 0 : i32
        %dma_wait3A_40 = tpu.memref_slice %arg3[%add3A_30, %dma_wait3A_39] : memref<10240x128xf32, #tpu.memory_space<hbm>> -> memref<256x128xf32, #tpu.memory_space<hbm>>
        tpu.wait_dma2 semaphore(%run_scoped3A : memref<!tpu.dma_semaphore, #tpu.memory_space<semaphore_mem>>) src(%dma_wait3A_40 : memref<256x128xf32, #tpu.memory_space<hbm>>) dst(%dma_wait3A_38 : memref<256x128xf32, #tpu.memory_space<vmem_shared>>)
        tpu.yield
      }) : () -> ()
    } else {
    }
    %eq3A_2 = arith.constant 1 : i32
    %eq3A_3 = arith.cmpi eq, %arg0, %eq3A_2 : i32
    %convert_element_type3A_4 = arith.extui %eq3A_3 : i1 to i32
    %cond3A_5 = arith.constant 0 : i32
    %cond3A_6 = arith.cmpi ne, %convert_element_type3A_4, %cond3A_5 : i32
    scf.if %cond3A_6 {
      %mul3A = arith.constant 376 : i32
      %mul3A_25 = arith.muli %arg1, %mul3A : i32
      %mul3A_26 = arith.constant 376 : i32
      %mul3A_27 = arith.muli %arg1, %mul3A_26 : i32
      "tpu.region"() ({
        %run_scoped3A = tpu.sem_alloc : memref<!tpu.dma_semaphore, #tpu.memory_space<semaphore_mem>>
        %dma_start3A = arith.constant 0 : i32
        %dma_start3A_33 = tpu.memref_slice %arg10[%mul3A_27, %dma_start3A] : memref<10112x128xf32, #tpu.memory_space<vmem_shared>> -> memref<376x128xf32, #tpu.memory_space<vmem_shared>>
        %dma_start3A_34 = arith.constant 0 : i32
        %dma_start3A_35 = tpu.memref_slice %arg3[%mul3A_25, %dma_start3A_34] : memref<10240x128xf32, #tpu.memory_space<hbm>> -> memref<376x128xf32, #tpu.memory_space<hbm>>
        tpu.enqueue_dma source(%dma_start3A_35 : memref<376x128xf32, #tpu.memory_space<hbm>>) target(%dma_start3A_33 : memref<376x128xf32, #tpu.memory_space<vmem_shared>>) target_semaphore(%run_scoped3A : memref<!tpu.dma_semaphore, #tpu.memory_space<semaphore_mem>>)
        %dma_wait3A = arith.constant 0 : i32
        %dma_wait3A_36 = tpu.memref_slice %arg10[%mul3A_27, %dma_wait3A] : memref<10112x128xf32, #tpu.memory_space<vmem_shared>> -> memref<376x128xf32, #tpu.memory_space<vmem_shared>>
        %dma_wait3A_37 = arith.constant 0 : i32
        %dma_wait3A_38 = tpu.memref_slice %arg3[%mul3A_25, %dma_wait3A_37] : memref<10240x128xf32, #tpu.memory_space<hbm>> -> memref<376x128xf32, #tpu.memory_space<hbm>>
        tpu.wait_dma2 semaphore(%run_scoped3A : memref<!tpu.dma_semaphore, #tpu.memory_space<semaphore_mem>>) src(%dma_wait3A_38 : memref<376x128xf32, #tpu.memory_space<hbm>>) dst(%dma_wait3A_36 : memref<376x128xf32, #tpu.memory_space<vmem_shared>>)
        tpu.yield
      }) : () -> ()
      %mul3A_28 = arith.constant 256 : i32
      %mul3A_29 = arith.muli %arg1, %mul3A_28 : i32
      %mul3A_30 = arith.constant 256 : i32
      %mul3A_31 = arith.muli %arg1, %mul3A_30 : i32
      %add3A = arith.constant 6016 : i32
      %add3A_32 = arith.addi %add3A, %mul3A_31 : i32
      "tpu.region"() ({
        %run_scoped3A = tpu.sem_alloc : memref<!tpu.dma_semaphore, #tpu.memory_space<semaphore_mem>>
        %dma_start3A = arith.constant 0 : i32
        %dma_start3A_33 = tpu.memref_slice %arg10[%add3A_32, %dma_start3A] : memref<10112x128xf32, #tpu.memory_space<vmem_shared>> -> memref<256x128xf32, #tpu.memory_space<vmem_shared>>
        %dma_start3A_34 = arith.constant 0 : i32
        %dma_start3A_35 = tpu.memref_slice %arg4[%mul3A_29, %dma_start3A_34] : memref<6016x128xf32, #tpu.memory_space<hbm>> -> memref<256x128xf32, #tpu.memory_space<hbm>>
        tpu.enqueue_dma source(%dma_start3A_35 : memref<256x128xf32, #tpu.memory_space<hbm>>) target(%dma_start3A_33 : memref<256x128xf32, #tpu.memory_space<vmem_shared>>) target_semaphore(%run_scoped3A : memref<!tpu.dma_semaphore, #tpu.memory_space<semaphore_mem>>)
        %dma_wait3A = arith.constant 0 : i32
        %dma_wait3A_36 = tpu.memref_slice %arg10[%add3A_32, %dma_wait3A] : memref<10112x128xf32, #tpu.memory_space<vmem_shared>> -> memref<256x128xf32, #tpu.memory_space<vmem_shared>>
        %dma_wait3A_37 = arith.constant 0 : i32
        %dma_wait3A_38 = tpu.memref_slice %arg4[%mul3A_29, %dma_wait3A_37] : memref<6016x128xf32, #tpu.memory_space<hbm>> -> memref<256x128xf32, #tpu.memory_space<hbm>>
        tpu.wait_dma2 semaphore(%run_scoped3A : memref<!tpu.dma_semaphore, #tpu.memory_space<semaphore_mem>>) src(%dma_wait3A_38 : memref<256x128xf32, #tpu.memory_space<hbm>>) dst(%dma_wait3A_36 : memref<256x128xf32, #tpu.memory_space<vmem_shared>>)
        tpu.yield
      }) : () -> ()
    } else {
    }
    %barrier3A = arith.constant 0 : index
    tpu.barrier barrier_id(%barrier3A)
    %scan3A = arith.constant 0 : i32
    %scan3A_7 = arith.constant 0 : i32
    %scan3A_8 = arith.constant 1 : i32
    %scan3A_9 = arith.constant 0 : i32
    %scan3A_10 = arith.constant 4 : i32
    %scan3A_11 = arith.addi %scan3A_9, %scan3A_10 : i32
    %scan3A_12 = arith.constant 1 : i32
    scf.for %scan3A_25 = %scan3A_9 to %scan3A_11 step %scan3A_12  : i32 {
      "tpu.region"() ({
        %run_scoped3A = tpu.sem_alloc : memref<!tpu.dma_semaphore, #tpu.memory_space<semaphore_mem>>
        %dma_start3A_43 = arith.constant 0 : i32
        %dma_start3A_44 = arith.constant 0 : i32
        %dma_start3A_45 = arith.constant 0 : i32
        %dma_start3A_46 = tpu.memref_slice %arg2[%arg0, %arg1, %scan3A_25, %dma_start3A_43, %dma_start3A_44, %dma_start3A_45] : memref<2x16x4x2x40x128xi32, #tpu.memory_space<hbm>> -> memref<1x1x1x2x40x128xi32, #tpu.memory_space<hbm>>
        %dma_start3A_47 = tpu.memref_squeeze %dma_start3A_46 : memref<1x1x1x2x40x128xi32, #tpu.memory_space<hbm>> -> memref<2x40x128xi32, #tpu.memory_space<hbm>>
        %dma_start3A_48 = arith.constant 0 : i32
        %dma_start3A_49 = arith.constant 0 : i32
        %dma_start3A_50 = arith.constant 0 : i32
        %dma_start3A_51 = tpu.memref_slice %arg2[%arg0, %arg1, %scan3A_25, %dma_start3A_48, %dma_start3A_49, %dma_start3A_50] : memref<2x16x4x2x40x128xi32, #tpu.memory_space<hbm>> -> memref<1x1x1x2x40x128xi32, #tpu.memory_space<hbm>>
        %dma_start3A_52 = tpu.memref_squeeze %dma_start3A_51 : memref<1x1x1x2x40x128xi32, #tpu.memory_space<hbm>> -> memref<2x40x128xi32, #tpu.memory_space<hbm>>
        tpu.enqueue_dma source(%dma_start3A_52 : memref<2x40x128xi32, #tpu.memory_space<hbm>>) target(%arg6 : memref<2x40x128xi32, #tpu.memory_space<vmem>>) target_semaphore(%run_scoped3A : memref<!tpu.dma_semaphore, #tpu.memory_space<semaphore_mem>>)
        %dma_wait3A = arith.constant 0 : i32
        %dma_wait3A_53 = arith.constant 0 : i32
        %dma_wait3A_54 = arith.constant 0 : i32
        %dma_wait3A_55 = tpu.memref_slice %arg2[%arg0, %arg1, %scan3A_25, %dma_wait3A, %dma_wait3A_53, %dma_wait3A_54] : memref<2x16x4x2x40x128xi32, #tpu.memory_space<hbm>> -> memref<1x1x1x2x40x128xi32, #tpu.memory_space<hbm>>
        %dma_wait3A_56 = tpu.memref_squeeze %dma_wait3A_55 : memref<1x1x1x2x40x128xi32, #tpu.memory_space<hbm>> -> memref<2x40x128xi32, #tpu.memory_space<hbm>>
        %dma_wait3A_57 = arith.constant 0 : i32
        %dma_wait3A_58 = arith.constant 0 : i32
        %dma_wait3A_59 = arith.constant 0 : i32
        %dma_wait3A_60 = tpu.memref_slice %arg2[%arg0, %arg1, %scan3A_25, %dma_wait3A_57, %dma_wait3A_58, %dma_wait3A_59] : memref<2x16x4x2x40x128xi32, #tpu.memory_space<hbm>> -> memref<1x1x1x2x40x128xi32, #tpu.memory_space<hbm>>
        %dma_wait3A_61 = tpu.memref_squeeze %dma_wait3A_60 : memref<1x1x1x2x40x128xi32, #tpu.memory_space<hbm>> -> memref<2x40x128xi32, #tpu.memory_space<hbm>>
        tpu.wait_dma2 semaphore(%run_scoped3A : memref<!tpu.dma_semaphore, #tpu.memory_space<semaphore_mem>>) src(%dma_wait3A_61 : memref<2x40x128xi32, #tpu.memory_space<hbm>>) dst(%arg6 : memref<2x40x128xi32, #tpu.memory_space<vmem>>)
        tpu.yield
      }) : () -> ()
      %dma_start3A = arith.constant 0 : i32
      %dma_start3A_26 = arith.constant 0 : i32
      %dma_start3A_27 = arith.constant 0 : i32
      %dma_start3A_28 = arith.constant 0 : i32
      %dma_start3A_29 = tpu.memref_slice %arg7[%scan3A_7, %dma_start3A_27, %dma_start3A_28] : memref<2x128x128xf32, #tpu.memory_space<vmem>> -> memref<1x128x128xf32, #tpu.memory_space<vmem>>
      %dma_start3A_30 = tpu.memref_squeeze %dma_start3A_29 : memref<1x128x128xf32, #tpu.memory_space<vmem>> -> memref<128x128xf32, #tpu.memory_space<vmem>>
      %dma_start3A_31 = arith.constant 0 : i32
      %dma_start3A_32 = tpu.memref_slice %arg6[%dma_start3A, %dma_start3A_26, %dma_start3A_31] : memref<2x40x128xi32, #tpu.memory_space<vmem>> -> memref<1x1x128xi32, #tpu.memory_space<vmem>>
      %dma_start3A_33 = tpu.memref_squeeze %dma_start3A_32 : memref<1x1x128xi32, #tpu.memory_space<vmem>> -> memref<128xi32, #tpu.memory_space<vmem>>
      %dma_start3A_34 = arith.constant 0 : i32
      %dma_start3A_35 = arith.constant 0 : i32
      %dma_start3A_36 = tpu.memref_slice %arg10[%dma_start3A_34, %dma_start3A_35] : memref<10112x128xf32, #tpu.memory_space<vmem_shared>> -> memref<10112x128xf32, #tpu.memory_space<vmem_shared>>
      tpu.enqueue_indirect_dma source(%dma_start3A_36 : memref<10112x128xf32, #tpu.memory_space<vmem_shared>>) target(%dma_start3A_30 : memref<128x128xf32, #tpu.memory_space<vmem>>) offsets(%dma_start3A_33 : memref<128xi32, #tpu.memory_space<vmem>>) semaphore(%arg8 : memref<!tpu.dma_semaphore, #tpu.memory_space<semaphore_mem>>)
      %scan3A_37 = arith.constant 0 : i32
      %scan3A_38 = arith.constant 0 : i32
      %scan3A_39 = arith.constant 20 : i32
      %scan3A_40 = arith.addi %scan3A_38, %scan3A_39 : i32
      %scan3A_41 = arith.constant 1 : i32
      scf.for %scan3A_43 = %scan3A_38 to %scan3A_40 step %scan3A_41  : i32 {
        %mul3A = arith.constant 2 : i32
        %mul3A_44 = arith.muli %mul3A, %scan3A_43 : i32
        %mul3A_45 = arith.constant 2 : i32
        %mul3A_46 = arith.muli %mul3A_45, %scan3A_43 : i32
        %add3A = arith.constant 1 : i32
        %add3A_47 = arith.addi %mul3A_46, %add3A : i32
        %dma_start3A_48 = arith.constant 0 : i32
        %dma_start3A_49 = arith.constant 0 : i32
        %dma_start3A_50 = arith.constant 0 : i32
        %dma_start3A_51 = tpu.memref_slice %arg7[%scan3A_8, %dma_start3A_49, %dma_start3A_50] : memref<2x128x128xf32, #tpu.memory_space<vmem>> -> memref<1x128x128xf32, #tpu.memory_space<vmem>>
        %dma_start3A_52 = tpu.memref_squeeze %dma_start3A_51 : memref<1x128x128xf32, #tpu.memory_space<vmem>> -> memref<128x128xf32, #tpu.memory_space<vmem>>
        %dma_start3A_53 = arith.constant 0 : i32
        %dma_start3A_54 = tpu.memref_slice %arg6[%dma_start3A_48, %add3A_47, %dma_start3A_53] : memref<2x40x128xi32, #tpu.memory_space<vmem>> -> memref<1x1x128xi32, #tpu.memory_space<vmem>>
        %dma_start3A_55 = tpu.memref_squeeze %dma_start3A_54 : memref<1x1x128xi32, #tpu.memory_space<vmem>> -> memref<128xi32, #tpu.memory_space<vmem>>
        %dma_start3A_56 = arith.constant 0 : i32
        %dma_start3A_57 = arith.constant 0 : i32
        %dma_start3A_58 = tpu.memref_slice %arg10[%dma_start3A_56, %dma_start3A_57] : memref<10112x128xf32, #tpu.memory_space<vmem_shared>> -> memref<10112x128xf32, #tpu.memory_space<vmem_shared>>
        tpu.enqueue_indirect_dma source(%dma_start3A_58 : memref<10112x128xf32, #tpu.memory_space<vmem_shared>>) target(%dma_start3A_52 : memref<128x128xf32, #tpu.memory_space<vmem>>) offsets(%dma_start3A_55 : memref<128xi32, #tpu.memory_space<vmem>>) semaphore(%arg9 : memref<!tpu.dma_semaphore, #tpu.memory_space<semaphore_mem>>)
        %dma_wait3A = arith.constant 0 : i32
        %dma_wait3A_59 = arith.constant 0 : i32
        %dma_wait3A_60 = arith.constant 0 : i32
        %dma_wait3A_61 = tpu.memref_slice %arg7[%scan3A_7, %dma_wait3A_59, %dma_wait3A_60] : memref<2x128x128xf32, #tpu.memory_space<vmem>> -> memref<1x128x128xf32, #tpu.memory_space<vmem>>
        %dma_wait3A_62 = tpu.memref_squeeze %dma_wait3A_61 : memref<1x128x128xf32, #tpu.memory_space<vmem>> -> memref<128x128xf32, #tpu.memory_space<vmem>>
        %dma_wait3A_63 = arith.constant 0 : i32
        %dma_wait3A_64 = tpu.memref_slice %arg6[%dma_wait3A, %mul3A_44, %dma_wait3A_63] : memref<2x40x128xi32, #tpu.memory_space<vmem>> -> memref<1x1x128xi32, #tpu.memory_space<vmem>>
        %dma_wait3A_65 = tpu.memref_squeeze %dma_wait3A_64 : memref<1x1x128xi32, #tpu.memory_space<vmem>> -> memref<128xi32, #tpu.memory_space<vmem>>
        %dma_wait3A_66 = arith.constant 0 : i32
        %dma_wait3A_67 = arith.constant 0 : i32
        %dma_wait3A_68 = tpu.memref_slice %arg10[%dma_wait3A_66, %dma_wait3A_67] : memref<10112x128xf32, #tpu.memory_space<vmem_shared>> -> memref<10112x128xf32, #tpu.memory_space<vmem_shared>>
        tpu.wait_indirect_dma semaphore(%arg8 : memref<!tpu.dma_semaphore, #tpu.memory_space<semaphore_mem>>) src(%dma_wait3A_68 : memref<10112x128xf32, #tpu.memory_space<vmem_shared>>) dst(%dma_wait3A_62 : memref<128x128xf32, #tpu.memory_space<vmem>>)
        %run_scoped3A = arith.constant 1 : i32
        "tpu.region"() ({
          %run_scoped3A_85 = tpu.sem_alloc : memref<!tpu.dma_semaphore, #tpu.memory_space<semaphore_mem>>
          %dma_start3A_86 = arith.constant 0 : i32
          %dma_start3A_87 = arith.constant 0 : i32
          %dma_start3A_88 = tpu.memref_slice %arg7[%scan3A_7, %dma_start3A_86, %dma_start3A_87] : memref<2x128x128xf32, #tpu.memory_space<vmem>> -> memref<1x128x128xf32, #tpu.memory_space<vmem>>
          %dma_start3A_89 = tpu.memref_squeeze %dma_start3A_88 : memref<1x128x128xf32, #tpu.memory_space<vmem>> -> memref<128x128xf32, #tpu.memory_space<vmem>>
          %dma_start3A_90 = arith.constant 0 : i32
          %dma_start3A_91 = tpu.memref_slice %arg6[%run_scoped3A, %mul3A_44, %dma_start3A_90] : memref<2x40x128xi32, #tpu.memory_space<vmem>> -> memref<1x1x128xi32, #tpu.memory_space<vmem>>
          %dma_start3A_92 = tpu.memref_squeeze %dma_start3A_91 : memref<1x1x128xi32, #tpu.memory_space<vmem>> -> memref<128xi32, #tpu.memory_space<vmem>>
          %dma_start3A_93 = arith.constant 0 : i32
          %dma_start3A_94 = arith.constant 0 : i32
          %dma_start3A_95 = tpu.memref_slice %arg10[%dma_start3A_93, %dma_start3A_94] : memref<10112x128xf32, #tpu.memory_space<vmem_shared>> -> memref<10112x128xf32, #tpu.memory_space<vmem_shared>>
          tpu.enqueue_indirect_dma source(%dma_start3A_89 : memref<128x128xf32, #tpu.memory_space<vmem>>) target(%dma_start3A_95 : memref<10112x128xf32, #tpu.memory_space<vmem_shared>>) offsets(%dma_start3A_92 : memref<128xi32, #tpu.memory_space<vmem>>) semaphore(%run_scoped3A_85 : memref<!tpu.dma_semaphore, #tpu.memory_space<semaphore_mem>>) {add = true}
          %dma_wait3A_96 = arith.constant 0 : i32
          %dma_wait3A_97 = arith.constant 0 : i32
          %dma_wait3A_98 = tpu.memref_slice %arg7[%scan3A_7, %dma_wait3A_96, %dma_wait3A_97] : memref<2x128x128xf32, #tpu.memory_space<vmem>> -> memref<1x128x128xf32, #tpu.memory_space<vmem>>
          %dma_wait3A_99 = tpu.memref_squeeze %dma_wait3A_98 : memref<1x128x128xf32, #tpu.memory_space<vmem>> -> memref<128x128xf32, #tpu.memory_space<vmem>>
          %dma_wait3A_100 = arith.constant 0 : i32
          %dma_wait3A_101 = tpu.memref_slice %arg6[%run_scoped3A, %mul3A_44, %dma_wait3A_100] : memref<2x40x128xi32, #tpu.memory_space<vmem>> -> memref<1x1x128xi32, #tpu.memory_space<vmem>>
          %dma_wait3A_102 = tpu.memref_squeeze %dma_wait3A_101 : memref<1x1x128xi32, #tpu.memory_space<vmem>> -> memref<128xi32, #tpu.memory_space<vmem>>
          %dma_wait3A_103 = arith.constant 0 : i32
          %dma_wait3A_104 = arith.constant 0 : i32
          %dma_wait3A_105 = tpu.memref_slice %arg10[%dma_wait3A_103, %dma_wait3A_104] : memref<10112x128xf32, #tpu.memory_space<vmem_shared>> -> memref<10112x128xf32, #tpu.memory_space<vmem_shared>>
          tpu.wait_indirect_dma semaphore(%run_scoped3A_85 : memref<!tpu.dma_semaphore, #tpu.memory_space<semaphore_mem>>) src(%dma_wait3A_99 : memref<128x128xf32, #tpu.memory_space<vmem>>) dst(%dma_wait3A_105 : memref<10112x128xf32, #tpu.memory_space<vmem_shared>>)
          tpu.yield
        }) : () -> ()
        %lt3A = arith.constant 19 : i32
        %lt3A_69 = arith.cmpi slt, %scan3A_43, %lt3A : i32
        %convert_element_type3A_70 = arith.extui %lt3A_69 : i1 to i32
        %cond3A_71 = arith.constant 0 : i32
        %cond3A_72 = arith.cmpi ne, %convert_element_type3A_70, %cond3A_71 : i32
        scf.if %cond3A_72 {
          %add3A_85 = arith.constant 2 : i32
          %add3A_86 = arith.addi %mul3A_44, %add3A_85 : i32
          %dma_start3A_87 = arith.constant 0 : i32
          %dma_start3A_88 = arith.constant 0 : i32
          %dma_start3A_89 = arith.constant 0 : i32
          %dma_start3A_90 = tpu.memref_slice %arg7[%scan3A_7, %dma_start3A_88, %dma_start3A_89] : memref<2x128x128xf32, #tpu.memory_space<vmem>> -> memref<1x128x128xf32, #tpu.memory_space<vmem>>
          %dma_start3A_91 = tpu.memref_squeeze %dma_start3A_90 : memref<1x128x128xf32, #tpu.memory_space<vmem>> -> memref<128x128xf32, #tpu.memory_space<vmem>>
          %dma_start3A_92 = arith.constant 0 : i32
          %dma_start3A_93 = tpu.memref_slice %arg6[%dma_start3A_87, %add3A_86, %dma_start3A_92] : memref<2x40x128xi32, #tpu.memory_space<vmem>> -> memref<1x1x128xi32, #tpu.memory_space<vmem>>
          %dma_start3A_94 = tpu.memref_squeeze %dma_start3A_93 : memref<1x1x128xi32, #tpu.memory_space<vmem>> -> memref<128xi32, #tpu.memory_space<vmem>>
          %dma_start3A_95 = arith.constant 0 : i32
          %dma_start3A_96 = arith.constant 0 : i32
          %dma_start3A_97 = tpu.memref_slice %arg10[%dma_start3A_95, %dma_start3A_96] : memref<10112x128xf32, #tpu.memory_space<vmem_shared>> -> memref<10112x128xf32, #tpu.memory_space<vmem_shared>>
          tpu.enqueue_indirect_dma source(%dma_start3A_97 : memref<10112x128xf32, #tpu.memory_space<vmem_shared>>) target(%dma_start3A_91 : memref<128x128xf32, #tpu.memory_space<vmem>>) offsets(%dma_start3A_94 : memref<128xi32, #tpu.memory_space<vmem>>) semaphore(%arg8 : memref<!tpu.dma_semaphore, #tpu.memory_space<semaphore_mem>>)
        } else {
        }
        %dma_wait3A_73 = arith.constant 0 : i32
        %dma_wait3A_74 = arith.constant 0 : i32
        %dma_wait3A_75 = arith.constant 0 : i32
        %dma_wait3A_76 = tpu.memref_slice %arg7[%scan3A_8, %dma_wait3A_74, %dma_wait3A_75] : memref<2x128x128xf32, #tpu.memory_space<vmem>> -> memref<1x128x128xf32, #tpu.memory_space<vmem>>
        %dma_wait3A_77 = tpu.memref_squeeze %dma_wait3A_76 : memref<1x128x128xf32, #tpu.memory_space<vmem>> -> memref<128x128xf32, #tpu.memory_space<vmem>>
        %dma_wait3A_78 = arith.constant 0 : i32
        %dma_wait3A_79 = tpu.memref_slice %arg6[%dma_wait3A_73, %add3A_47, %dma_wait3A_78] : memref<2x40x128xi32, #tpu.memory_space<vmem>> -> memref<1x1x128xi32, #tpu.memory_space<vmem>>
        %dma_wait3A_80 = tpu.memref_squeeze %dma_wait3A_79 : memref<1x1x128xi32, #tpu.memory_space<vmem>> -> memref<128xi32, #tpu.memory_space<vmem>>
        %dma_wait3A_81 = arith.constant 0 : i32
        %dma_wait3A_82 = arith.constant 0 : i32
        %dma_wait3A_83 = tpu.memref_slice %arg10[%dma_wait3A_81, %dma_wait3A_82] : memref<10112x128xf32, #tpu.memory_space<vmem_shared>> -> memref<10112x128xf32, #tpu.memory_space<vmem_shared>>
        tpu.wait_indirect_dma semaphore(%arg9 : memref<!tpu.dma_semaphore, #tpu.memory_space<semaphore_mem>>) src(%dma_wait3A_83 : memref<10112x128xf32, #tpu.memory_space<vmem_shared>>) dst(%dma_wait3A_77 : memref<128x128xf32, #tpu.memory_space<vmem>>)
        %run_scoped3A_84 = arith.constant 1 : i32
        "tpu.region"() ({
          %run_scoped3A_85 = tpu.sem_alloc : memref<!tpu.dma_semaphore, #tpu.memory_space<semaphore_mem>>
          %dma_start3A_86 = arith.constant 0 : i32
          %dma_start3A_87 = arith.constant 0 : i32
          %dma_start3A_88 = tpu.memref_slice %arg7[%scan3A_8, %dma_start3A_86, %dma_start3A_87] : memref<2x128x128xf32, #tpu.memory_space<vmem>> -> memref<1x128x128xf32, #tpu.memory_space<vmem>>
          %dma_start3A_89 = tpu.memref_squeeze %dma_start3A_88 : memref<1x128x128xf32, #tpu.memory_space<vmem>> -> memref<128x128xf32, #tpu.memory_space<vmem>>
          %dma_start3A_90 = arith.constant 0 : i32
          %dma_start3A_91 = tpu.memref_slice %arg6[%run_scoped3A_84, %add3A_47, %dma_start3A_90] : memref<2x40x128xi32, #tpu.memory_space<vmem>> -> memref<1x1x128xi32, #tpu.memory_space<vmem>>
          %dma_start3A_92 = tpu.memref_squeeze %dma_start3A_91 : memref<1x1x128xi32, #tpu.memory_space<vmem>> -> memref<128xi32, #tpu.memory_space<vmem>>
          %dma_start3A_93 = arith.constant 0 : i32
          %dma_start3A_94 = arith.constant 0 : i32
          %dma_start3A_95 = tpu.memref_slice %arg10[%dma_start3A_93, %dma_start3A_94] : memref<10112x128xf32, #tpu.memory_space<vmem_shared>> -> memref<10112x128xf32, #tpu.memory_space<vmem_shared>>
          tpu.enqueue_indirect_dma source(%dma_start3A_89 : memref<128x128xf32, #tpu.memory_space<vmem>>) target(%dma_start3A_95 : memref<10112x128xf32, #tpu.memory_space<vmem_shared>>) offsets(%dma_start3A_92 : memref<128xi32, #tpu.memory_space<vmem>>) semaphore(%run_scoped3A_85 : memref<!tpu.dma_semaphore, #tpu.memory_space<semaphore_mem>>) {add = true}
          %dma_wait3A_96 = arith.constant 0 : i32
          %dma_wait3A_97 = arith.constant 0 : i32
          %dma_wait3A_98 = tpu.memref_slice %arg7[%scan3A_8, %dma_wait3A_96, %dma_wait3A_97] : memref<2x128x128xf32, #tpu.memory_space<vmem>> -> memref<1x128x128xf32, #tpu.memory_space<vmem>>
          %dma_wait3A_99 = tpu.memref_squeeze %dma_wait3A_98 : memref<1x128x128xf32, #tpu.memory_space<vmem>> -> memref<128x128xf32, #tpu.memory_space<vmem>>
          %dma_wait3A_100 = arith.constant 0 : i32
          %dma_wait3A_101 = tpu.memref_slice %arg6[%run_scoped3A_84, %add3A_47, %dma_wait3A_100] : memref<2x40x128xi32, #tpu.memory_space<vmem>> -> memref<1x1x128xi32, #tpu.memory_space<vmem>>
          %dma_wait3A_102 = tpu.memref_squeeze %dma_wait3A_101 : memref<1x1x128xi32, #tpu.memory_space<vmem>> -> memref<128xi32, #tpu.memory_space<vmem>>
          %dma_wait3A_103 = arith.constant 0 : i32
          %dma_wait3A_104 = arith.constant 0 : i32
          %dma_wait3A_105 = tpu.memref_slice %arg10[%dma_wait3A_103, %dma_wait3A_104] : memref<10112x128xf32, #tpu.memory_space<vmem_shared>> -> memref<10112x128xf32, #tpu.memory_space<vmem_shared>>
          tpu.wait_indirect_dma semaphore(%run_scoped3A_85 : memref<!tpu.dma_semaphore, #tpu.memory_space<semaphore_mem>>) src(%dma_wait3A_99 : memref<128x128xf32, #tpu.memory_space<vmem>>) dst(%dma_wait3A_105 : memref<10112x128xf32, #tpu.memory_space<vmem_shared>>)
          tpu.yield
        }) : () -> ()
      }
      %scan3A_42 = arith.constant 20 : i32
    }
    %scan3A_13 = arith.constant 4 : i32
    %barrier3A_14 = arith.constant 0 : index
    tpu.barrier barrier_id(%barrier3A_14)
    %eq3A_15 = arith.constant 0 : i32
    %eq3A_16 = arith.cmpi eq, %arg0, %eq3A_15 : i32
    %convert_element_type3A_17 = arith.extui %eq3A_16 : i1 to i32
    %cond3A_18 = arith.constant 0 : i32
    %cond3A_19 = arith.cmpi ne, %convert_element_type3A_17, %cond3A_18 : i32
    scf.if %cond3A_19 {
      %mul3A = arith.constant 376 : i32
      %mul3A_25 = arith.muli %arg1, %mul3A : i32
      %mul3A_26 = arith.constant 376 : i32
      %mul3A_27 = arith.muli %arg1, %mul3A_26 : i32
      "tpu.region"() ({
        %run_scoped3A = tpu.sem_alloc : memref<!tpu.dma_semaphore, #tpu.memory_space<semaphore_mem>>
        %dma_start3A = arith.constant 0 : i32
        %dma_start3A_28 = tpu.memref_slice %arg5[%arg0, %mul3A_27, %dma_start3A] : memref<2x6016x128xf32, #tpu.memory_space<hbm>> -> memref<1x376x128xf32, #tpu.memory_space<hbm>>
        %dma_start3A_29 = tpu.memref_squeeze %dma_start3A_28 : memref<1x376x128xf32, #tpu.memory_space<hbm>> -> memref<376x128xf32, #tpu.memory_space<hbm>>
        %dma_start3A_30 = arith.constant 0 : i32
        %dma_start3A_31 = tpu.memref_slice %arg10[%mul3A_25, %dma_start3A_30] : memref<10112x128xf32, #tpu.memory_space<vmem_shared>> -> memref<376x128xf32, #tpu.memory_space<vmem_shared>>
        tpu.enqueue_dma source(%dma_start3A_31 : memref<376x128xf32, #tpu.memory_space<vmem_shared>>) target(%dma_start3A_29 : memref<376x128xf32, #tpu.memory_space<hbm>>) target_semaphore(%run_scoped3A : memref<!tpu.dma_semaphore, #tpu.memory_space<semaphore_mem>>)
        %dma_wait3A = arith.constant 0 : i32
        %dma_wait3A_32 = tpu.memref_slice %arg5[%arg0, %mul3A_27, %dma_wait3A] : memref<2x6016x128xf32, #tpu.memory_space<hbm>> -> memref<1x376x128xf32, #tpu.memory_space<hbm>>
        %dma_wait3A_33 = tpu.memref_squeeze %dma_wait3A_32 : memref<1x376x128xf32, #tpu.memory_space<hbm>> -> memref<376x128xf32, #tpu.memory_space<hbm>>
        %dma_wait3A_34 = arith.constant 0 : i32
        %dma_wait3A_35 = tpu.memref_slice %arg10[%mul3A_25, %dma_wait3A_34] : memref<10112x128xf32, #tpu.memory_space<vmem_shared>> -> memref<376x128xf32, #tpu.memory_space<vmem_shared>>
        tpu.wait_dma2 semaphore(%run_scoped3A : memref<!tpu.dma_semaphore, #tpu.memory_space<semaphore_mem>>) src(%dma_wait3A_35 : memref<376x128xf32, #tpu.memory_space<vmem_shared>>) dst(%dma_wait3A_33 : memref<376x128xf32, #tpu.memory_space<hbm>>)
        tpu.yield
      }) : () -> ()
    } else {
    }
    %eq3A_20 = arith.constant 1 : i32
    %eq3A_21 = arith.cmpi eq, %arg0, %eq3A_20 : i32
    %convert_element_type3A_22 = arith.extui %eq3A_21 : i1 to i32
    %cond3A_23 = arith.constant 0 : i32
    %cond3A_24 = arith.cmpi ne, %convert_element_type3A_22, %cond3A_23 : i32
    scf.if %cond3A_24 {
      %mul3A = arith.constant 256 : i32
      %mul3A_25 = arith.muli %arg1, %mul3A : i32
      %add3A = arith.constant 6016 : i32
      %add3A_26 = arith.addi %add3A, %mul3A_25 : i32
      %mul3A_27 = arith.constant 256 : i32
      %mul3A_28 = arith.muli %arg1, %mul3A_27 : i32
      "tpu.region"() ({
        %run_scoped3A = tpu.sem_alloc : memref<!tpu.dma_semaphore, #tpu.memory_space<semaphore_mem>>
        %dma_start3A = arith.constant 0 : i32
        %dma_start3A_29 = tpu.memref_slice %arg5[%arg0, %mul3A_28, %dma_start3A] : memref<2x6016x128xf32, #tpu.memory_space<hbm>> -> memref<1x256x128xf32, #tpu.memory_space<hbm>>
        %dma_start3A_30 = tpu.memref_squeeze %dma_start3A_29 : memref<1x256x128xf32, #tpu.memory_space<hbm>> -> memref<256x128xf32, #tpu.memory_space<hbm>>
        %dma_start3A_31 = arith.constant 0 : i32
        %dma_start3A_32 = tpu.memref_slice %arg10[%add3A_26, %dma_start3A_31] : memref<10112x128xf32, #tpu.memory_space<vmem_shared>> -> memref<256x128xf32, #tpu.memory_space<vmem_shared>>
        tpu.enqueue_dma source(%dma_start3A_32 : memref<256x128xf32, #tpu.memory_space<vmem_shared>>) target(%dma_start3A_30 : memref<256x128xf32, #tpu.memory_space<hbm>>) target_semaphore(%run_scoped3A : memref<!tpu.dma_semaphore, #tpu.memory_space<semaphore_mem>>)
        %dma_wait3A = arith.constant 0 : i32
        %dma_wait3A_33 = tpu.memref_slice %arg5[%arg0, %mul3A_28, %dma_wait3A] : memref<2x6016x128xf32, #tpu.memory_space<hbm>> -> memref<1x256x128xf32, #tpu.memory_space<hbm>>
        %dma_wait3A_34 = tpu.memref_squeeze %dma_wait3A_33 : memref<1x256x128xf32, #tpu.memory_space<hbm>> -> memref<256x128xf32, #tpu.memory_space<hbm>>
        %dma_wait3A_35 = arith.constant 0 : i32
        %dma_wait3A_36 = tpu.memref_slice %arg10[%add3A_26, %dma_wait3A_35] : memref<10112x128xf32, #tpu.memory_space<vmem_shared>> -> memref<256x128xf32, #tpu.memory_space<vmem_shared>>
        tpu.wait_dma2 semaphore(%run_scoped3A : memref<!tpu.dma_semaphore, #tpu.memory_space<semaphore_mem>>) src(%dma_wait3A_36 : memref<256x128xf32, #tpu.memory_space<vmem_shared>>) dst(%dma_wait3A_34 : memref<256x128xf32, #tpu.memory_space<hbm>>)
        tpu.yield
      }) : () -> ()
    } else {
    }
    return
  }
}

#map = affine_map<(d0, d1) -> (0, 0, 0, 0, 0, 0)>
#map1 = affine_map<(d0, d1) -> (0, 0)>
#map2 = affine_map<(d0, d1) -> (0, 0, 0)>
module attributes {stable_mosaic.version = 14 : i64} {
  func.func @_prop_body(%arg0: i32, %arg1: i32, %arg2: memref<2x16x4x2x40x128xi32, #tpu.memory_space<hbm>>, %arg3: memref<10240x128xf32, #tpu.memory_space<hbm>>, %arg4: memref<6016x128xf32, #tpu.memory_space<hbm>>, %arg5: memref<2x6016x128xf32, #tpu.memory_space<hbm>>, %arg6: memref<2x40x128xi32, #tpu.memory_space<vmem>>, %arg7: memref<2x128x128xf32, #tpu.memory_space<vmem>>, %arg8: memref<!tpu.dma_semaphore, #tpu.memory_space<semaphore_mem>>, %arg9: memref<!tpu.dma_semaphore, #tpu.memory_space<semaphore_mem>>, %arg10: memref<10112x128xf32, #tpu.memory_space<vmem_shared>>) attributes {dimension_semantics = [#tpu.dimension_semantics<core_parallel>, #tpu.dimension_semantics<subcore_parallel>], iteration_bounds = array<i64: 2, 16>, scalar_prefetch = 0 : i64, scratch_operands = 5 : i64, tpu.core_type = #tpu.core_type<sc_vector_subcore>, window_params = [{transform_indices = #map}, {transform_indices = #map1}, {transform_indices = #map1}, {transform_indices = #map2}]} {
    %eq3A = arith.constant 0 : i32
    %eq3A_0 = arith.cmpi eq, %arg0, %eq3A : i32
    %convert_element_type3A = arith.extui %eq3A_0 : i1 to i32
    %cond3A = arith.constant 0 : i32
    %cond3A_1 = arith.cmpi ne, %convert_element_type3A, %cond3A : i32
    scf.if %cond3A_1 {
      %mul3A = arith.constant 376 : i32
      %mul3A_25 = arith.muli %arg1, %mul3A : i32
      %mul3A_26 = arith.constant 376 : i32
      %mul3A_27 = arith.muli %arg1, %mul3A_26 : i32
      "tpu.region"() ({
        %run_scoped3A = tpu.sem_alloc : memref<!tpu.dma_semaphore, #tpu.memory_space<semaphore_mem>>
        %dma_start3A = arith.constant 0 : i32
        %dma_start3A_35 = tpu.memref_slice %arg10[%mul3A_27, %dma_start3A] : memref<10112x128xf32, #tpu.memory_space<vmem_shared>> -> memref<376x128xf32, #tpu.memory_space<vmem_shared>>
        %dma_start3A_36 = arith.constant 0 : i32
        %dma_start3A_37 = tpu.memref_slice %arg4[%mul3A_25, %dma_start3A_36] : memref<6016x128xf32, #tpu.memory_space<hbm>> -> memref<376x128xf32, #tpu.memory_space<hbm>>
        tpu.enqueue_dma source(%dma_start3A_37 : memref<376x128xf32, #tpu.memory_space<hbm>>) target(%dma_start3A_35 : memref<376x128xf32, #tpu.memory_space<vmem_shared>>) target_semaphore(%run_scoped3A : memref<!tpu.dma_semaphore, #tpu.memory_space<semaphore_mem>>)
        %dma_wait3A = arith.constant 0 : i32
        %dma_wait3A_38 = tpu.memref_slice %arg10[%mul3A_27, %dma_wait3A] : memref<10112x128xf32, #tpu.memory_space<vmem_shared>> -> memref<376x128xf32, #tpu.memory_space<vmem_shared>>
        %dma_wait3A_39 = arith.constant 0 : i32
        %dma_wait3A_40 = tpu.memref_slice %arg4[%mul3A_25, %dma_wait3A_39] : memref<6016x128xf32, #tpu.memory_space<hbm>> -> memref<376x128xf32, #tpu.memory_space<hbm>>
        tpu.wait_dma2 semaphore(%run_scoped3A : memref<!tpu.dma_semaphore, #tpu.memory_space<semaphore_mem>>) src(%dma_wait3A_40 : memref<376x128xf32, #tpu.memory_space<hbm>>) dst(%dma_wait3A_38 : memref<376x128xf32, #tpu.memory_space<vmem_shared>>)
        tpu.yield
      }) : () -> ()
      %mul3A_28 = arith.constant 256 : i32
      %mul3A_29 = arith.muli %arg1, %mul3A_28 : i32
      %add3A = arith.constant 6000 : i32
      %add3A_30 = arith.addi %add3A, %mul3A_29 : i32
      %mul3A_31 = arith.constant 256 : i32
      %mul3A_32 = arith.muli %arg1, %mul3A_31 : i32
      %add3A_33 = arith.constant 6016 : i32
      %add3A_34 = arith.addi %add3A_33, %mul3A_32 : i32
      "tpu.region"() ({
        %run_scoped3A = tpu.sem_alloc : memref<!tpu.dma_semaphore, #tpu.memory_space<semaphore_mem>>
        %dma_start3A = arith.constant 0 : i32
        %dma_start3A_35 = tpu.memref_slice %arg10[%add3A_34, %dma_start3A] : memref<10112x128xf32, #tpu.memory_space<vmem_shared>> -> memref<256x128xf32, #tpu.memory_space<vmem_shared>>
        %dma_start3A_36 = arith.constant 0 : i32
        %dma_start3A_37 = tpu.memref_slice %arg3[%add3A_30, %dma_start3A_36] : memref<10240x128xf32, #tpu.memory_space<hbm>> -> memref<256x128xf32, #tpu.memory_space<hbm>>
        tpu.enqueue_dma source(%dma_start3A_37 : memref<256x128xf32, #tpu.memory_space<hbm>>) target(%dma_start3A_35 : memref<256x128xf32, #tpu.memory_space<vmem_shared>>) target_semaphore(%run_scoped3A : memref<!tpu.dma_semaphore, #tpu.memory_space<semaphore_mem>>)
        %dma_wait3A = arith.constant 0 : i32
        %dma_wait3A_38 = tpu.memref_slice %arg10[%add3A_34, %dma_wait3A] : memref<10112x128xf32, #tpu.memory_space<vmem_shared>> -> memref<256x128xf32, #tpu.memory_space<vmem_shared>>
        %dma_wait3A_39 = arith.constant 0 : i32
        %dma_wait3A_40 = tpu.memref_slice %arg3[%add3A_30, %dma_wait3A_39] : memref<10240x128xf32, #tpu.memory_space<hbm>> -> memref<256x128xf32, #tpu.memory_space<hbm>>
        tpu.wait_dma2 semaphore(%run_scoped3A : memref<!tpu.dma_semaphore, #tpu.memory_space<semaphore_mem>>) src(%dma_wait3A_40 : memref<256x128xf32, #tpu.memory_space<hbm>>) dst(%dma_wait3A_38 : memref<256x128xf32, #tpu.memory_space<vmem_shared>>)
        tpu.yield
      }) : () -> ()
    } else {
    }
    %eq3A_2 = arith.constant 1 : i32
    %eq3A_3 = arith.cmpi eq, %arg0, %eq3A_2 : i32
    %convert_element_type3A_4 = arith.extui %eq3A_3 : i1 to i32
    %cond3A_5 = arith.constant 0 : i32
    %cond3A_6 = arith.cmpi ne, %convert_element_type3A_4, %cond3A_5 : i32
    scf.if %cond3A_6 {
      %mul3A = arith.constant 376 : i32
      %mul3A_25 = arith.muli %arg1, %mul3A : i32
      %mul3A_26 = arith.constant 376 : i32
      %mul3A_27 = arith.muli %arg1, %mul3A_26 : i32
      "tpu.region"() ({
        %run_scoped3A = tpu.sem_alloc : memref<!tpu.dma_semaphore, #tpu.memory_space<semaphore_mem>>
        %dma_start3A = arith.constant 0 : i32
        %dma_start3A_33 = tpu.memref_slice %arg10[%mul3A_27, %dma_start3A] : memref<10112x128xf32, #tpu.memory_space<vmem_shared>> -> memref<376x128xf32, #tpu.memory_space<vmem_shared>>
        %dma_start3A_34 = arith.constant 0 : i32
        %dma_start3A_35 = tpu.memref_slice %arg3[%mul3A_25, %dma_start3A_34] : memref<10240x128xf32, #tpu.memory_space<hbm>> -> memref<376x128xf32, #tpu.memory_space<hbm>>
        tpu.enqueue_dma source(%dma_start3A_35 : memref<376x128xf32, #tpu.memory_space<hbm>>) target(%dma_start3A_33 : memref<376x128xf32, #tpu.memory_space<vmem_shared>>) target_semaphore(%run_scoped3A : memref<!tpu.dma_semaphore, #tpu.memory_space<semaphore_mem>>)
        %dma_wait3A = arith.constant 0 : i32
        %dma_wait3A_36 = tpu.memref_slice %arg10[%mul3A_27, %dma_wait3A] : memref<10112x128xf32, #tpu.memory_space<vmem_shared>> -> memref<376x128xf32, #tpu.memory_space<vmem_shared>>
        %dma_wait3A_37 = arith.constant 0 : i32
        %dma_wait3A_38 = tpu.memref_slice %arg3[%mul3A_25, %dma_wait3A_37] : memref<10240x128xf32, #tpu.memory_space<hbm>> -> memref<376x128xf32, #tpu.memory_space<hbm>>
        tpu.wait_dma2 semaphore(%run_scoped3A : memref<!tpu.dma_semaphore, #tpu.memory_space<semaphore_mem>>) src(%dma_wait3A_38 : memref<376x128xf32, #tpu.memory_space<hbm>>) dst(%dma_wait3A_36 : memref<376x128xf32, #tpu.memory_space<vmem_shared>>)
        tpu.yield
      }) : () -> ()
      %mul3A_28 = arith.constant 256 : i32
      %mul3A_29 = arith.muli %arg1, %mul3A_28 : i32
      %mul3A_30 = arith.constant 256 : i32
      %mul3A_31 = arith.muli %arg1, %mul3A_30 : i32
      %add3A = arith.constant 6016 : i32
      %add3A_32 = arith.addi %add3A, %mul3A_31 : i32
      "tpu.region"() ({
        %run_scoped3A = tpu.sem_alloc : memref<!tpu.dma_semaphore, #tpu.memory_space<semaphore_mem>>
        %dma_start3A = arith.constant 0 : i32
        %dma_start3A_33 = tpu.memref_slice %arg10[%add3A_32, %dma_start3A] : memref<10112x128xf32, #tpu.memory_space<vmem_shared>> -> memref<256x128xf32, #tpu.memory_space<vmem_shared>>
        %dma_start3A_34 = arith.constant 0 : i32
        %dma_start3A_35 = tpu.memref_slice %arg4[%mul3A_29, %dma_start3A_34] : memref<6016x128xf32, #tpu.memory_space<hbm>> -> memref<256x128xf32, #tpu.memory_space<hbm>>
        tpu.enqueue_dma source(%dma_start3A_35 : memref<256x128xf32, #tpu.memory_space<hbm>>) target(%dma_start3A_33 : memref<256x128xf32, #tpu.memory_space<vmem_shared>>) target_semaphore(%run_scoped3A : memref<!tpu.dma_semaphore, #tpu.memory_space<semaphore_mem>>)
        %dma_wait3A = arith.constant 0 : i32
        %dma_wait3A_36 = tpu.memref_slice %arg10[%add3A_32, %dma_wait3A] : memref<10112x128xf32, #tpu.memory_space<vmem_shared>> -> memref<256x128xf32, #tpu.memory_space<vmem_shared>>
        %dma_wait3A_37 = arith.constant 0 : i32
        %dma_wait3A_38 = tpu.memref_slice %arg4[%mul3A_29, %dma_wait3A_37] : memref<6016x128xf32, #tpu.memory_space<hbm>> -> memref<256x128xf32, #tpu.memory_space<hbm>>
        tpu.wait_dma2 semaphore(%run_scoped3A : memref<!tpu.dma_semaphore, #tpu.memory_space<semaphore_mem>>) src(%dma_wait3A_38 : memref<256x128xf32, #tpu.memory_space<hbm>>) dst(%dma_wait3A_36 : memref<256x128xf32, #tpu.memory_space<vmem_shared>>)
        tpu.yield
      }) : () -> ()
    } else {
    }
    %barrier3A = arith.constant 0 : index
    tpu.barrier barrier_id(%barrier3A)
    %scan3A = arith.constant 0 : i32
    %scan3A_7 = arith.constant 0 : i32
    %scan3A_8 = arith.constant 1 : i32
    %scan3A_9 = arith.constant 0 : i32
    %scan3A_10 = arith.constant 4 : i32
    %scan3A_11 = arith.addi %scan3A_9, %scan3A_10 : i32
    %scan3A_12 = arith.constant 1 : i32
    scf.for %scan3A_25 = %scan3A_9 to %scan3A_11 step %scan3A_12  : i32 {
      "tpu.region"() ({
        %run_scoped3A = tpu.sem_alloc : memref<!tpu.dma_semaphore, #tpu.memory_space<semaphore_mem>>
        %dma_start3A_43 = arith.constant 0 : i32
        %dma_start3A_44 = arith.constant 0 : i32
        %dma_start3A_45 = arith.constant 0 : i32
        %dma_start3A_46 = tpu.memref_slice %arg2[%arg0, %arg1, %scan3A_25, %dma_start3A_43, %dma_start3A_44, %dma_start3A_45] : memref<2x16x4x2x40x128xi32, #tpu.memory_space<hbm>> -> memref<1x1x1x2x40x128xi32, #tpu.memory_space<hbm>>
        %dma_start3A_47 = tpu.memref_squeeze %dma_start3A_46 : memref<1x1x1x2x40x128xi32, #tpu.memory_space<hbm>> -> memref<2x40x128xi32, #tpu.memory_space<hbm>>
        %dma_start3A_48 = arith.constant 0 : i32
        %dma_start3A_49 = arith.constant 0 : i32
        %dma_start3A_50 = arith.constant 0 : i32
        %dma_start3A_51 = tpu.memref_slice %arg2[%arg0, %arg1, %scan3A_25, %dma_start3A_48, %dma_start3A_49, %dma_start3A_50] : memref<2x16x4x2x40x128xi32, #tpu.memory_space<hbm>> -> memref<1x1x1x2x40x128xi32, #tpu.memory_space<hbm>>
        %dma_start3A_52 = tpu.memref_squeeze %dma_start3A_51 : memref<1x1x1x2x40x128xi32, #tpu.memory_space<hbm>> -> memref<2x40x128xi32, #tpu.memory_space<hbm>>
        tpu.enqueue_dma source(%dma_start3A_52 : memref<2x40x128xi32, #tpu.memory_space<hbm>>) target(%arg6 : memref<2x40x128xi32, #tpu.memory_space<vmem>>) target_semaphore(%run_scoped3A : memref<!tpu.dma_semaphore, #tpu.memory_space<semaphore_mem>>)
        %dma_wait3A = arith.constant 0 : i32
        %dma_wait3A_53 = arith.constant 0 : i32
        %dma_wait3A_54 = arith.constant 0 : i32
        %dma_wait3A_55 = tpu.memref_slice %arg2[%arg0, %arg1, %scan3A_25, %dma_wait3A, %dma_wait3A_53, %dma_wait3A_54] : memref<2x16x4x2x40x128xi32, #tpu.memory_space<hbm>> -> memref<1x1x1x2x40x128xi32, #tpu.memory_space<hbm>>
        %dma_wait3A_56 = tpu.memref_squeeze %dma_wait3A_55 : memref<1x1x1x2x40x128xi32, #tpu.memory_space<hbm>> -> memref<2x40x128xi32, #tpu.memory_space<hbm>>
        %dma_wait3A_57 = arith.constant 0 : i32
        %dma_wait3A_58 = arith.constant 0 : i32
        %dma_wait3A_59 = arith.constant 0 : i32
        %dma_wait3A_60 = tpu.memref_slice %arg2[%arg0, %arg1, %scan3A_25, %dma_wait3A_57, %dma_wait3A_58, %dma_wait3A_59] : memref<2x16x4x2x40x128xi32, #tpu.memory_space<hbm>> -> memref<1x1x1x2x40x128xi32, #tpu.memory_space<hbm>>
        %dma_wait3A_61 = tpu.memref_squeeze %dma_wait3A_60 : memref<1x1x1x2x40x128xi32, #tpu.memory_space<hbm>> -> memref<2x40x128xi32, #tpu.memory_space<hbm>>
        tpu.wait_dma2 semaphore(%run_scoped3A : memref<!tpu.dma_semaphore, #tpu.memory_space<semaphore_mem>>) src(%dma_wait3A_61 : memref<2x40x128xi32, #tpu.memory_space<hbm>>) dst(%arg6 : memref<2x40x128xi32, #tpu.memory_space<vmem>>)
        tpu.yield
      }) : () -> ()
      %dma_start3A = arith.constant 0 : i32
      %dma_start3A_26 = arith.constant 0 : i32
      %dma_start3A_27 = arith.constant 0 : i32
      %dma_start3A_28 = arith.constant 0 : i32
      %dma_start3A_29 = tpu.memref_slice %arg7[%scan3A_7, %dma_start3A_27, %dma_start3A_28] : memref<2x128x128xf32, #tpu.memory_space<vmem>> -> memref<1x128x128xf32, #tpu.memory_space<vmem>>
      %dma_start3A_30 = tpu.memref_squeeze %dma_start3A_29 : memref<1x128x128xf32, #tpu.memory_space<vmem>> -> memref<128x128xf32, #tpu.memory_space<vmem>>
      %dma_start3A_31 = arith.constant 0 : i32
      %dma_start3A_32 = tpu.memref_slice %arg6[%dma_start3A, %dma_start3A_26, %dma_start3A_31] : memref<2x40x128xi32, #tpu.memory_space<vmem>> -> memref<1x1x128xi32, #tpu.memory_space<vmem>>
      %dma_start3A_33 = tpu.memref_squeeze %dma_start3A_32 : memref<1x1x128xi32, #tpu.memory_space<vmem>> -> memref<128xi32, #tpu.memory_space<vmem>>
      %dma_start3A_34 = arith.constant 0 : i32
      %dma_start3A_35 = arith.constant 0 : i32
      %dma_start3A_36 = tpu.memref_slice %arg10[%dma_start3A_34, %dma_start3A_35] : memref<10112x128xf32, #tpu.memory_space<vmem_shared>> -> memref<10112x128xf32, #tpu.memory_space<vmem_shared>>
      tpu.enqueue_indirect_dma source(%dma_start3A_36 : memref<10112x128xf32, #tpu.memory_space<vmem_shared>>) target(%dma_start3A_30 : memref<128x128xf32, #tpu.memory_space<vmem>>) offsets(%dma_start3A_33 : memref<128xi32, #tpu.memory_space<vmem>>) semaphore(%arg8 : memref<!tpu.dma_semaphore, #tpu.memory_space<semaphore_mem>>)
      %scan3A_37 = arith.constant 0 : i32
      %scan3A_38 = arith.constant 0 : i32
      %scan3A_39 = arith.constant 20 : i32
      %scan3A_40 = arith.addi %scan3A_38, %scan3A_39 : i32
      %scan3A_41 = arith.constant 1 : i32
      scf.for %scan3A_43 = %scan3A_38 to %scan3A_40 step %scan3A_41  : i32 {
        %mul3A = arith.constant 2 : i32
        %mul3A_44 = arith.muli %mul3A, %scan3A_43 : i32
        %mul3A_45 = arith.constant 2 : i32
        %mul3A_46 = arith.muli %mul3A_45, %scan3A_43 : i32
        %add3A = arith.constant 1 : i32
        %add3A_47 = arith.addi %mul3A_46, %add3A : i32
        %dma_start3A_48 = arith.constant 0 : i32
        %dma_start3A_49 = arith.constant 0 : i32
        %dma_start3A_50 = arith.constant 0 : i32
        %dma_start3A_51 = tpu.memref_slice %arg7[%scan3A_8, %dma_start3A_49, %dma_start3A_50] : memref<2x128x128xf32, #tpu.memory_space<vmem>> -> memref<1x128x128xf32, #tpu.memory_space<vmem>>
        %dma_start3A_52 = tpu.memref_squeeze %dma_start3A_51 : memref<1x128x128xf32, #tpu.memory_space<vmem>> -> memref<128x128xf32, #tpu.memory_space<vmem>>
        %dma_start3A_53 = arith.constant 0 : i32
        %dma_start3A_54 = tpu.memref_slice %arg6[%dma_start3A_48, %add3A_47, %dma_start3A_53] : memref<2x40x128xi32, #tpu.memory_space<vmem>> -> memref<1x1x128xi32, #tpu.memory_space<vmem>>
        %dma_start3A_55 = tpu.memref_squeeze %dma_start3A_54 : memref<1x1x128xi32, #tpu.memory_space<vmem>> -> memref<128xi32, #tpu.memory_space<vmem>>
        %dma_start3A_56 = arith.constant 0 : i32
        %dma_start3A_57 = arith.constant 0 : i32
        %dma_start3A_58 = tpu.memref_slice %arg10[%dma_start3A_56, %dma_start3A_57] : memref<10112x128xf32, #tpu.memory_space<vmem_shared>> -> memref<10112x128xf32, #tpu.memory_space<vmem_shared>>
        tpu.enqueue_indirect_dma source(%dma_start3A_58 : memref<10112x128xf32, #tpu.memory_space<vmem_shared>>) target(%dma_start3A_52 : memref<128x128xf32, #tpu.memory_space<vmem>>) offsets(%dma_start3A_55 : memref<128xi32, #tpu.memory_space<vmem>>) semaphore(%arg9 : memref<!tpu.dma_semaphore, #tpu.memory_space<semaphore_mem>>)
        %dma_wait3A = arith.constant 0 : i32
        %dma_wait3A_59 = arith.constant 0 : i32
        %dma_wait3A_60 = arith.constant 0 : i32
        %dma_wait3A_61 = tpu.memref_slice %arg7[%scan3A_7, %dma_wait3A_59, %dma_wait3A_60] : memref<2x128x128xf32, #tpu.memory_space<vmem>> -> memref<1x128x128xf32, #tpu.memory_space<vmem>>
        %dma_wait3A_62 = tpu.memref_squeeze %dma_wait3A_61 : memref<1x128x128xf32, #tpu.memory_space<vmem>> -> memref<128x128xf32, #tpu.memory_space<vmem>>
        %dma_wait3A_63 = arith.constant 0 : i32
        %dma_wait3A_64 = tpu.memref_slice %arg6[%dma_wait3A, %mul3A_44, %dma_wait3A_63] : memref<2x40x128xi32, #tpu.memory_space<vmem>> -> memref<1x1x128xi32, #tpu.memory_space<vmem>>
        %dma_wait3A_65 = tpu.memref_squeeze %dma_wait3A_64 : memref<1x1x128xi32, #tpu.memory_space<vmem>> -> memref<128xi32, #tpu.memory_space<vmem>>
        %dma_wait3A_66 = arith.constant 0 : i32
        %dma_wait3A_67 = arith.constant 0 : i32
        %dma_wait3A_68 = tpu.memref_slice %arg10[%dma_wait3A_66, %dma_wait3A_67] : memref<10112x128xf32, #tpu.memory_space<vmem_shared>> -> memref<10112x128xf32, #tpu.memory_space<vmem_shared>>
        tpu.wait_indirect_dma semaphore(%arg8 : memref<!tpu.dma_semaphore, #tpu.memory_space<semaphore_mem>>) src(%dma_wait3A_68 : memref<10112x128xf32, #tpu.memory_space<vmem_shared>>) dst(%dma_wait3A_62 : memref<128x128xf32, #tpu.memory_space<vmem>>)
        %run_scoped3A = arith.constant 1 : i32
        "tpu.region"() ({
          %run_scoped3A_85 = tpu.sem_alloc : memref<!tpu.dma_semaphore, #tpu.memory_space<semaphore_mem>>
          %dma_start3A_86 = arith.constant 0 : i32
          %dma_start3A_87 = arith.constant 0 : i32
          %dma_start3A_88 = tpu.memref_slice %arg7[%scan3A_7, %dma_start3A_86, %dma_start3A_87] : memref<2x128x128xf32, #tpu.memory_space<vmem>> -> memref<1x128x128xf32, #tpu.memory_space<vmem>>
          %dma_start3A_89 = tpu.memref_squeeze %dma_start3A_88 : memref<1x128x128xf32, #tpu.memory_space<vmem>> -> memref<128x128xf32, #tpu.memory_space<vmem>>
          %dma_start3A_90 = arith.constant 0 : i32
          %dma_start3A_91 = tpu.memref_slice %arg6[%run_scoped3A, %mul3A_44, %dma_start3A_90] : memref<2x40x128xi32, #tpu.memory_space<vmem>> -> memref<1x1x128xi32, #tpu.memory_space<vmem>>
          %dma_start3A_92 = tpu.memref_squeeze %dma_start3A_91 : memref<1x1x128xi32, #tpu.memory_space<vmem>> -> memref<128xi32, #tpu.memory_space<vmem>>
          %dma_start3A_93 = arith.constant 0 : i32
          %dma_start3A_94 = arith.constant 0 : i32
          %dma_start3A_95 = tpu.memref_slice %arg10[%dma_start3A_93, %dma_start3A_94] : memref<10112x128xf32, #tpu.memory_space<vmem_shared>> -> memref<10112x128xf32, #tpu.memory_space<vmem_shared>>
          tpu.enqueue_indirect_dma source(%dma_start3A_89 : memref<128x128xf32, #tpu.memory_space<vmem>>) target(%dma_start3A_95 : memref<10112x128xf32, #tpu.memory_space<vmem_shared>>) offsets(%dma_start3A_92 : memref<128xi32, #tpu.memory_space<vmem>>) semaphore(%run_scoped3A_85 : memref<!tpu.dma_semaphore, #tpu.memory_space<semaphore_mem>>) {add = true}
          %dma_wait3A_96 = arith.constant 0 : i32
          %dma_wait3A_97 = arith.constant 0 : i32
          %dma_wait3A_98 = tpu.memref_slice %arg7[%scan3A_7, %dma_wait3A_96, %dma_wait3A_97] : memref<2x128x128xf32, #tpu.memory_space<vmem>> -> memref<1x128x128xf32, #tpu.memory_space<vmem>>
          %dma_wait3A_99 = tpu.memref_squeeze %dma_wait3A_98 : memref<1x128x128xf32, #tpu.memory_space<vmem>> -> memref<128x128xf32, #tpu.memory_space<vmem>>
          %dma_wait3A_100 = arith.constant 0 : i32
          %dma_wait3A_101 = tpu.memref_slice %arg6[%run_scoped3A, %mul3A_44, %dma_wait3A_100] : memref<2x40x128xi32, #tpu.memory_space<vmem>> -> memref<1x1x128xi32, #tpu.memory_space<vmem>>
          %dma_wait3A_102 = tpu.memref_squeeze %dma_wait3A_101 : memref<1x1x128xi32, #tpu.memory_space<vmem>> -> memref<128xi32, #tpu.memory_space<vmem>>
          %dma_wait3A_103 = arith.constant 0 : i32
          %dma_wait3A_104 = arith.constant 0 : i32
          %dma_wait3A_105 = tpu.memref_slice %arg10[%dma_wait3A_103, %dma_wait3A_104] : memref<10112x128xf32, #tpu.memory_space<vmem_shared>> -> memref<10112x128xf32, #tpu.memory_space<vmem_shared>>
          tpu.wait_indirect_dma semaphore(%run_scoped3A_85 : memref<!tpu.dma_semaphore, #tpu.memory_space<semaphore_mem>>) src(%dma_wait3A_99 : memref<128x128xf32, #tpu.memory_space<vmem>>) dst(%dma_wait3A_105 : memref<10112x128xf32, #tpu.memory_space<vmem_shared>>)
          tpu.yield
        }) : () -> ()
        %lt3A = arith.constant 19 : i32
        %lt3A_69 = arith.cmpi slt, %scan3A_43, %lt3A : i32
        %convert_element_type3A_70 = arith.extui %lt3A_69 : i1 to i32
        %cond3A_71 = arith.constant 0 : i32
        %cond3A_72 = arith.cmpi ne, %convert_element_type3A_70, %cond3A_71 : i32
        scf.if %cond3A_72 {
          %add3A_85 = arith.constant 2 : i32
          %add3A_86 = arith.addi %mul3A_44, %add3A_85 : i32
          %dma_start3A_87 = arith.constant 0 : i32
          %dma_start3A_88 = arith.constant 0 : i32
          %dma_start3A_89 = arith.constant 0 : i32
          %dma_start3A_90 = tpu.memref_slice %arg7[%scan3A_7, %dma_start3A_88, %dma_start3A_89] : memref<2x128x128xf32, #tpu.memory_space<vmem>> -> memref<1x128x128xf32, #tpu.memory_space<vmem>>
          %dma_start3A_91 = tpu.memref_squeeze %dma_start3A_90 : memref<1x128x128xf32, #tpu.memory_space<vmem>> -> memref<128x128xf32, #tpu.memory_space<vmem>>
          %dma_start3A_92 = arith.constant 0 : i32
          %dma_start3A_93 = tpu.memref_slice %arg6[%dma_start3A_87, %add3A_86, %dma_start3A_92] : memref<2x40x128xi32, #tpu.memory_space<vmem>> -> memref<1x1x128xi32, #tpu.memory_space<vmem>>
          %dma_start3A_94 = tpu.memref_squeeze %dma_start3A_93 : memref<1x1x128xi32, #tpu.memory_space<vmem>> -> memref<128xi32, #tpu.memory_space<vmem>>
          %dma_start3A_95 = arith.constant 0 : i32
          %dma_start3A_96 = arith.constant 0 : i32
          %dma_start3A_97 = tpu.memref_slice %arg10[%dma_start3A_95, %dma_start3A_96] : memref<10112x128xf32, #tpu.memory_space<vmem_shared>> -> memref<10112x128xf32, #tpu.memory_space<vmem_shared>>
          tpu.enqueue_indirect_dma source(%dma_start3A_97 : memref<10112x128xf32, #tpu.memory_space<vmem_shared>>) target(%dma_start3A_91 : memref<128x128xf32, #tpu.memory_space<vmem>>) offsets(%dma_start3A_94 : memref<128xi32, #tpu.memory_space<vmem>>) semaphore(%arg8 : memref<!tpu.dma_semaphore, #tpu.memory_space<semaphore_mem>>)
        } else {
        }
        %dma_wait3A_73 = arith.constant 0 : i32
        %dma_wait3A_74 = arith.constant 0 : i32
        %dma_wait3A_75 = arith.constant 0 : i32
        %dma_wait3A_76 = tpu.memref_slice %arg7[%scan3A_8, %dma_wait3A_74, %dma_wait3A_75] : memref<2x128x128xf32, #tpu.memory_space<vmem>> -> memref<1x128x128xf32, #tpu.memory_space<vmem>>
        %dma_wait3A_77 = tpu.memref_squeeze %dma_wait3A_76 : memref<1x128x128xf32, #tpu.memory_space<vmem>> -> memref<128x128xf32, #tpu.memory_space<vmem>>
        %dma_wait3A_78 = arith.constant 0 : i32
        %dma_wait3A_79 = tpu.memref_slice %arg6[%dma_wait3A_73, %add3A_47, %dma_wait3A_78] : memref<2x40x128xi32, #tpu.memory_space<vmem>> -> memref<1x1x128xi32, #tpu.memory_space<vmem>>
        %dma_wait3A_80 = tpu.memref_squeeze %dma_wait3A_79 : memref<1x1x128xi32, #tpu.memory_space<vmem>> -> memref<128xi32, #tpu.memory_space<vmem>>
        %dma_wait3A_81 = arith.constant 0 : i32
        %dma_wait3A_82 = arith.constant 0 : i32
        %dma_wait3A_83 = tpu.memref_slice %arg10[%dma_wait3A_81, %dma_wait3A_82] : memref<10112x128xf32, #tpu.memory_space<vmem_shared>> -> memref<10112x128xf32, #tpu.memory_space<vmem_shared>>
        tpu.wait_indirect_dma semaphore(%arg9 : memref<!tpu.dma_semaphore, #tpu.memory_space<semaphore_mem>>) src(%dma_wait3A_83 : memref<10112x128xf32, #tpu.memory_space<vmem_shared>>) dst(%dma_wait3A_77 : memref<128x128xf32, #tpu.memory_space<vmem>>)
        %run_scoped3A_84 = arith.constant 1 : i32
        "tpu.region"() ({
          %run_scoped3A_85 = tpu.sem_alloc : memref<!tpu.dma_semaphore, #tpu.memory_space<semaphore_mem>>
          %dma_start3A_86 = arith.constant 0 : i32
          %dma_start3A_87 = arith.constant 0 : i32
          %dma_start3A_88 = tpu.memref_slice %arg7[%scan3A_8, %dma_start3A_86, %dma_start3A_87] : memref<2x128x128xf32, #tpu.memory_space<vmem>> -> memref<1x128x128xf32, #tpu.memory_space<vmem>>
          %dma_start3A_89 = tpu.memref_squeeze %dma_start3A_88 : memref<1x128x128xf32, #tpu.memory_space<vmem>> -> memref<128x128xf32, #tpu.memory_space<vmem>>
          %dma_start3A_90 = arith.constant 0 : i32
          %dma_start3A_91 = tpu.memref_slice %arg6[%run_scoped3A_84, %add3A_47, %dma_start3A_90] : memref<2x40x128xi32, #tpu.memory_space<vmem>> -> memref<1x1x128xi32, #tpu.memory_space<vmem>>
          %dma_start3A_92 = tpu.memref_squeeze %dma_start3A_91 : memref<1x1x128xi32, #tpu.memory_space<vmem>> -> memref<128xi32, #tpu.memory_space<vmem>>
          %dma_start3A_93 = arith.constant 0 : i32
          %dma_start3A_94 = arith.constant 0 : i32
          %dma_start3A_95 = tpu.memref_slice %arg10[%dma_start3A_93, %dma_start3A_94] : memref<10112x128xf32, #tpu.memory_space<vmem_shared>> -> memref<10112x128xf32, #tpu.memory_space<vmem_shared>>
          tpu.enqueue_indirect_dma source(%dma_start3A_89 : memref<128x128xf32, #tpu.memory_space<vmem>>) target(%dma_start3A_95 : memref<10112x128xf32, #tpu.memory_space<vmem_shared>>) offsets(%dma_start3A_92 : memref<128xi32, #tpu.memory_space<vmem>>) semaphore(%run_scoped3A_85 : memref<!tpu.dma_semaphore, #tpu.memory_space<semaphore_mem>>) {add = true}
          %dma_wait3A_96 = arith.constant 0 : i32
          %dma_wait3A_97 = arith.constant 0 : i32
          %dma_wait3A_98 = tpu.memref_slice %arg7[%scan3A_8, %dma_wait3A_96, %dma_wait3A_97] : memref<2x128x128xf32, #tpu.memory_space<vmem>> -> memref<1x128x128xf32, #tpu.memory_space<vmem>>
          %dma_wait3A_99 = tpu.memref_squeeze %dma_wait3A_98 : memref<1x128x128xf32, #tpu.memory_space<vmem>> -> memref<128x128xf32, #tpu.memory_space<vmem>>
          %dma_wait3A_100 = arith.constant 0 : i32
          %dma_wait3A_101 = tpu.memref_slice %arg6[%run_scoped3A_84, %add3A_47, %dma_wait3A_100] : memref<2x40x128xi32, #tpu.memory_space<vmem>> -> memref<1x1x128xi32, #tpu.memory_space<vmem>>
          %dma_wait3A_102 = tpu.memref_squeeze %dma_wait3A_101 : memref<1x1x128xi32, #tpu.memory_space<vmem>> -> memref<128xi32, #tpu.memory_space<vmem>>
          %dma_wait3A_103 = arith.constant 0 : i32
          %dma_wait3A_104 = arith.constant 0 : i32
          %dma_wait3A_105 = tpu.memref_slice %arg10[%dma_wait3A_103, %dma_wait3A_104] : memref<10112x128xf32, #tpu.memory_space<vmem_shared>> -> memref<10112x128xf32, #tpu.memory_space<vmem_shared>>
          tpu.wait_indirect_dma semaphore(%run_scoped3A_85 : memref<!tpu.dma_semaphore, #tpu.memory_space<semaphore_mem>>) src(%dma_wait3A_99 : memref<128x128xf32, #tpu.memory_space<vmem>>) dst(%dma_wait3A_105 : memref<10112x128xf32, #tpu.memory_space<vmem_shared>>)
          tpu.yield
        }) : () -> ()
      }
      %scan3A_42 = arith.constant 20 : i32
    }
    %scan3A_13 = arith.constant 4 : i32
    %barrier3A_14 = arith.constant 0 : index
    tpu.barrier barrier_id(%barrier3A_14)
    %eq3A_15 = arith.constant 0 : i32
    %eq3A_16 = arith.cmpi eq, %arg0, %eq3A_15 : i32
    %convert_element_type3A_17 = arith.extui %eq3A_16 : i1 to i32
    %cond3A_18 = arith.constant 0 : i32
    %cond3A_19 = arith.cmpi ne, %convert_element_type3A_17, %cond3A_18 : i32
    scf.if %cond3A_19 {
      %mul3A = arith.constant 376 : i32
      %mul3A_25 = arith.muli %arg1, %mul3A : i32
      %mul3A_26 = arith.constant 376 : i32
      %mul3A_27 = arith.muli %arg1, %mul3A_26 : i32
      "tpu.region"() ({
        %run_scoped3A = tpu.sem_alloc : memref<!tpu.dma_semaphore, #tpu.memory_space<semaphore_mem>>
        %dma_start3A = arith.constant 0 : i32
        %dma_start3A_28 = tpu.memref_slice %arg5[%arg0, %mul3A_27, %dma_start3A] : memref<2x6016x128xf32, #tpu.memory_space<hbm>> -> memref<1x376x128xf32, #tpu.memory_space<hbm>>
        %dma_start3A_29 = tpu.memref_squeeze %dma_start3A_28 : memref<1x376x128xf32, #tpu.memory_space<hbm>> -> memref<376x128xf32, #tpu.memory_space<hbm>>
        %dma_start3A_30 = arith.constant 0 : i32
        %dma_start3A_31 = tpu.memref_slice %arg10[%mul3A_25, %dma_start3A_30] : memref<10112x128xf32, #tpu.memory_space<vmem_shared>> -> memref<376x128xf32, #tpu.memory_space<vmem_shared>>
        tpu.enqueue_dma source(%dma_start3A_31 : memref<376x128xf32, #tpu.memory_space<vmem_shared>>) target(%dma_start3A_29 : memref<376x128xf32, #tpu.memory_space<hbm>>) target_semaphore(%run_scoped3A : memref<!tpu.dma_semaphore, #tpu.memory_space<semaphore_mem>>)
        %dma_wait3A = arith.constant 0 : i32
        %dma_wait3A_32 = tpu.memref_slice %arg5[%arg0, %mul3A_27, %dma_wait3A] : memref<2x6016x128xf32, #tpu.memory_space<hbm>> -> memref<1x376x128xf32, #tpu.memory_space<hbm>>
        %dma_wait3A_33 = tpu.memref_squeeze %dma_wait3A_32 : memref<1x376x128xf32, #tpu.memory_space<hbm>> -> memref<376x128xf32, #tpu.memory_space<hbm>>
        %dma_wait3A_34 = arith.constant 0 : i32
        %dma_wait3A_35 = tpu.memref_slice %arg10[%mul3A_25, %dma_wait3A_34] : memref<10112x128xf32, #tpu.memory_space<vmem_shared>> -> memref<376x128xf32, #tpu.memory_space<vmem_shared>>
        tpu.wait_dma2 semaphore(%run_scoped3A : memref<!tpu.dma_semaphore, #tpu.memory_space<semaphore_mem>>) src(%dma_wait3A_35 : memref<376x128xf32, #tpu.memory_space<vmem_shared>>) dst(%dma_wait3A_33 : memref<376x128xf32, #tpu.memory_space<hbm>>)
        tpu.yield
      }) : () -> ()
    } else {
    }
    %eq3A_20 = arith.constant 1 : i32
    %eq3A_21 = arith.cmpi eq, %arg0, %eq3A_20 : i32
    %convert_element_type3A_22 = arith.extui %eq3A_21 : i1 to i32
    %cond3A_23 = arith.constant 0 : i32
    %cond3A_24 = arith.cmpi ne, %convert_element_type3A_22, %cond3A_23 : i32
    scf.if %cond3A_24 {
      %mul3A = arith.constant 256 : i32
      %mul3A_25 = arith.muli %arg1, %mul3A : i32
      %add3A = arith.constant 6016 : i32
      %add3A_26 = arith.addi %add3A, %mul3A_25 : i32
      %mul3A_27 = arith.constant 256 : i32
      %mul3A_28 = arith.muli %arg1, %mul3A_27 : i32
      "tpu.region"() ({
        %run_scoped3A = tpu.sem_alloc : memref<!tpu.dma_semaphore, #tpu.memory_space<semaphore_mem>>
        %dma_start3A = arith.constant 0 : i32
        %dma_start3A_29 = tpu.memref_slice %arg5[%arg0, %mul3A_28, %dma_start3A] : memref<2x6016x128xf32, #tpu.memory_space<hbm>> -> memref<1x256x128xf32, #tpu.memory_space<hbm>>
        %dma_start3A_30 = tpu.memref_squeeze %dma_start3A_29 : memref<1x256x128xf32, #tpu.memory_space<hbm>> -> memref<256x128xf32, #tpu.memory_space<hbm>>
        %dma_start3A_31 = arith.constant 0 : i32
        %dma_start3A_32 = tpu.memref_slice %arg10[%add3A_26, %dma_start3A_31] : memref<10112x128xf32, #tpu.memory_space<vmem_shared>> -> memref<256x128xf32, #tpu.memory_space<vmem_shared>>
        tpu.enqueue_dma source(%dma_start3A_32 : memref<256x128xf32, #tpu.memory_space<vmem_shared>>) target(%dma_start3A_30 : memref<256x128xf32, #tpu.memory_space<hbm>>) target_semaphore(%run_scoped3A : memref<!tpu.dma_semaphore, #tpu.memory_space<semaphore_mem>>)
        %dma_wait3A = arith.constant 0 : i32
        %dma_wait3A_33 = tpu.memref_slice %arg5[%arg0, %mul3A_28, %dma_wait3A] : memref<2x6016x128xf32, #tpu.memory_space<hbm>> -> memref<1x256x128xf32, #tpu.memory_space<hbm>>
        %dma_wait3A_34 = tpu.memref_squeeze %dma_wait3A_33 : memref<1x256x128xf32, #tpu.memory_space<hbm>> -> memref<256x128xf32, #tpu.memory_space<hbm>>
        %dma_wait3A_35 = arith.constant 0 : i32
        %dma_wait3A_36 = tpu.memref_slice %arg10[%add3A_26, %dma_wait3A_35] : memref<10112x128xf32, #tpu.memory_space<vmem_shared>> -> memref<256x128xf32, #tpu.memory_space<vmem_shared>>
        tpu.wait_dma2 semaphore(%run_scoped3A : memref<!tpu.dma_semaphore, #tpu.memory_space<semaphore_mem>>) src(%dma_wait3A_36 : memref<256x128xf32, #tpu.memory_space<vmem_shared>>) dst(%dma_wait3A_34 : memref<256x128xf32, #tpu.memory_space<hbm>>)
        tpu.yield
      }) : () -> ()
    } else {
    }
    return
  }
}

module attributes {stable_mosaic.version = 14 : i64} {
  func.func @_prep_body(%arg0: i32, %arg1: memref<1024x1xf32, #tpu.memory_space<vmem>>, %arg2: memref<1024x128xf32, #tpu.memory_space<vmem>>, %arg3: memref<1024x1xf32, #tpu.memory_space<vmem>>, %arg4: memref<1024x128xf32, #tpu.memory_space<vmem>>) attributes {dimension_semantics = [#tpu.dimension_semantics<arbitrary>], iteration_bounds = array<i64: 10>, scalar_prefetch = 0 : i64, scratch_operands = 0 : i64, tpu.core_type = #tpu.core_type<tc>, window_params = [{transform_indices = @transform_0, window_bounds = array<i64: 1024, 1>}, {transform_indices = @transform_1, window_bounds = array<i64: 1024, 128>}, {transform_indices = @transform_2, window_bounds = array<i64: 1024, 1>}, {transform_indices = @transform_3, window_bounds = array<i64: 1024, 128>}]} {
    %get3A = arith.constant 0 : index
    %get3A_0 = arith.constant 0 : index
    %get3A_1 = vector.load %arg1[%get3A, %get3A_0] : memref<1024x1xf32, #tpu.memory_space<vmem>>, vector<1024x1xf32>
    %max3A = arith.constant 1.000000e+00 : f32
    %max3A_2 = vector.broadcast %max3A : f32 to vector<1024x1xf32>
    %max3A_3 = arith.maximumf %get3A_1, %max3A_2 : vector<1024x1xf32>
    %rsqrt3A = math.rsqrt %max3A_3 : vector<1024x1xf32>
    %swap3A = arith.constant 0 : index
    %swap3A_4 = arith.constant 0 : index
    %swap3A_5 = vector.load %arg3[%swap3A, %swap3A_4] : memref<1024x1xf32, #tpu.memory_space<vmem>>, vector<1024x1xf32>
    tpu.vector_store %arg3[%swap3A, %swap3A_4], %rsqrt3A {strides = array<i32>} : memref<1024x1xf32, #tpu.memory_space<vmem>>, vector<1024x1xf32>,
    %get3A_6 = arith.constant 0 : index
    %get3A_7 = arith.constant 0 : index
    %get3A_8 = vector.load %arg2[%get3A_6, %get3A_7] : memref<1024x128xf32, #tpu.memory_space<vmem>>, vector<1024x128xf32>
    %mul3A = vector.broadcast %rsqrt3A : vector<1024x1xf32> to vector<1024x128xf32>
    %mul3A_9 = arith.mulf %get3A_8, %mul3A : vector<1024x128xf32>
    %swap3A_10 = arith.constant 0 : index
    %swap3A_11 = arith.constant 0 : index
    %swap3A_12 = vector.load %arg4[%swap3A_10, %swap3A_11] : memref<1024x128xf32, #tpu.memory_space<vmem>>, vector<1024x128xf32>
    tpu.vector_store %arg4[%swap3A_10, %swap3A_11], %mul3A_9 {strides = array<i32>} : memref<1024x128xf32, #tpu.memory_space<vmem>>, vector<1024x128xf32>,
    return
  }
  func.func @transform_0(%arg0: i32) -> (i32, i32) {
    %c0_i32 = arith.constant 0 : i32
    %c0_i32_0 = arith.constant 0 : i32
    return %arg0, %c0_i32 : i32, i32
  }
  func.func @transform_1(%arg0: i32) -> (i32, i32) {
    %c0_i32 = arith.constant 0 : i32
    %c0_i32_0 = arith.constant 0 : i32
    return %arg0, %c0_i32 : i32, i32
  }
  func.func @transform_2(%arg0: i32) -> (i32, i32) {
    %c0_i32 = arith.constant 0 : i32
    %c0_i32_0 = arith.constant 0 : i32
    return %arg0, %c0_i32 : i32, i32
  }
  func.func @transform_3(%arg0: i32) -> (i32, i32) {
    %c0_i32 = arith.constant 0 : i32
    %c0_i32_0 = arith.constant 0 : i32
    return %arg0, %c0_i32 : i32, i32
  }
}

module attributes {stable_mosaic.version = 14 : i64} {
  func.func @_upd1_body(%arg0: i32, %arg1: memref<1024x128xf32, #tpu.memory_space<vmem>>, %arg2: memref<1024x128xf32, #tpu.memory_space<vmem>>, %arg3: memref<1024x1xf32, #tpu.memory_space<vmem>>, %arg4: memref<1024x128xf32, #tpu.memory_space<vmem>>, %arg5: memref<1024x128xf32, #tpu.memory_space<vmem>>) attributes {dimension_semantics = [#tpu.dimension_semantics<arbitrary>], iteration_bounds = array<i64: 10>, scalar_prefetch = 0 : i64, scratch_operands = 0 : i64, tpu.core_type = #tpu.core_type<tc>, window_params = [{transform_indices = @transform_0, window_bounds = array<i64: 1024, 128>}, {transform_indices = @transform_1, window_bounds = array<i64: 1024, 128>}, {transform_indices = @transform_2, window_bounds = array<i64: 1024, 1>}, {transform_indices = @transform_3, window_bounds = array<i64: 1024, 128>}, {transform_indices = @transform_4, window_bounds = array<i64: 1024, 128>}]} {
    %get3A = arith.constant 0 : index
    %get3A_0 = arith.constant 0 : index
    %get3A_1 = vector.load %arg3[%get3A, %get3A_0] : memref<1024x1xf32, #tpu.memory_space<vmem>>, vector<1024x1xf32>
    %get3A_2 = arith.constant 0 : index
    %get3A_3 = arith.constant 0 : index
    %get3A_4 = vector.load %arg2[%get3A_2, %get3A_3] : memref<1024x128xf32, #tpu.memory_space<vmem>>, vector<1024x128xf32>
    %mul3A = arith.constant 1.000000e-01 : f32
    %mul3A_5 = vector.broadcast %mul3A : f32 to vector<1024x128xf32>
    %mul3A_6 = arith.mulf %mul3A_5, %get3A_4 : vector<1024x128xf32>
    %get3A_7 = arith.constant 0 : index
    %get3A_8 = arith.constant 0 : index
    %get3A_9 = vector.load %arg1[%get3A_7, %get3A_8] : memref<1024x128xf32, #tpu.memory_space<vmem>>, vector<1024x128xf32>
    %mul3A_10 = vector.broadcast %get3A_1 : vector<1024x1xf32> to vector<1024x128xf32>
    %mul3A_11 = arith.mulf %get3A_9, %mul3A_10 : vector<1024x128xf32>
    %mul3A_12 = arith.constant 0.899999976 : f32
    %mul3A_13 = vector.broadcast %mul3A_12 : f32 to vector<1024x128xf32>
    %mul3A_14 = arith.mulf %mul3A_13, %mul3A_11 : vector<1024x128xf32>
    %add3A = arith.addf %mul3A_6, %mul3A_14 : vector<1024x128xf32>
    %get3A_15 = arith.constant 0 : index
    %get3A_16 = arith.constant 0 : index
    %get3A_17 = vector.load %arg2[%get3A_15, %get3A_16] : memref<1024x128xf32, #tpu.memory_space<vmem>>, vector<1024x128xf32>
    %add3A_18 = arith.addf %get3A_17, %add3A : vector<1024x128xf32>
    %swap3A = arith.constant 0 : index
    %swap3A_19 = arith.constant 0 : index
    %swap3A_20 = vector.load %arg4[%swap3A, %swap3A_19] : memref<1024x128xf32, #tpu.memory_space<vmem>>, vector<1024x128xf32>
    tpu.vector_store %arg4[%swap3A, %swap3A_19], %add3A_18 {strides = array<i32>} : memref<1024x128xf32, #tpu.memory_space<vmem>>, vector<1024x128xf32>,
    %mul3A_21 = vector.broadcast %get3A_1 : vector<1024x1xf32> to vector<1024x128xf32>
    %mul3A_22 = arith.mulf %add3A, %mul3A_21 : vector<1024x128xf32>
    %swap3A_23 = arith.constant 0 : index
    %swap3A_24 = arith.constant 0 : index
    %swap3A_25 = vector.load %arg5[%swap3A_23, %swap3A_24] : memref<1024x128xf32, #tpu.memory_space<vmem>>, vector<1024x128xf32>
    tpu.vector_store %arg5[%swap3A_23, %swap3A_24], %mul3A_22 {strides = array<i32>} : memref<1024x128xf32, #tpu.memory_space<vmem>>, vector<1024x128xf32>,
    return
  }
  func.func @transform_0(%arg0: i32) -> (i32, i32) {
    %c0_i32 = arith.constant 0 : i32
    %c0_i32_0 = arith.constant 0 : i32
    return %arg0, %c0_i32 : i32, i32
  }
  func.func @transform_1(%arg0: i32) -> (i32, i32) {
    %c0_i32 = arith.constant 0 : i32
    %c0_i32_0 = arith.constant 0 : i32
    return %arg0, %c0_i32 : i32, i32
  }
  func.func @transform_2(%arg0: i32) -> (i32, i32) {
    %c0_i32 = arith.constant 0 : i32
    %c0_i32_0 = arith.constant 0 : i32
    return %arg0, %c0_i32 : i32, i32
  }
  func.func @transform_3(%arg0: i32) -> (i32, i32) {
    %c0_i32 = arith.constant 0 : i32
    %c0_i32_0 = arith.constant 0 : i32
    return %arg0, %c0_i32 : i32, i32
  }
  func.func @transform_4(%arg0: i32) -> (i32, i32) {
    %c0_i32 = arith.constant 0 : i32
    %c0_i32_0 = arith.constant 0 : i32
    return %arg0, %c0_i32 : i32, i32
  }
}

module attributes {stable_mosaic.version = 14 : i64} {
  func.func @_upd2_body(%arg0: i32, %arg1: memref<1024x128xf32, #tpu.memory_space<vmem>>, %arg2: memref<1024x128xf32, #tpu.memory_space<vmem>>, %arg3: memref<1024x128xf32, #tpu.memory_space<vmem>>, %arg4: memref<1024x1xf32, #tpu.memory_space<vmem>>, %arg5: memref<1024x128xf32, #tpu.memory_space<vmem>>) attributes {dimension_semantics = [#tpu.dimension_semantics<arbitrary>], iteration_bounds = array<i64: 10>, scalar_prefetch = 0 : i64, scratch_operands = 0 : i64, tpu.core_type = #tpu.core_type<tc>, window_params = [{transform_indices = @transform_0, window_bounds = array<i64: 1024, 128>}, {transform_indices = @transform_1, window_bounds = array<i64: 1024, 128>}, {transform_indices = @transform_2, window_bounds = array<i64: 1024, 128>}, {transform_indices = @transform_3, window_bounds = array<i64: 1024, 1>}, {transform_indices = @transform_4, window_bounds = array<i64: 1024, 128>}]} {
    %get3A = arith.constant 0 : index
    %get3A_0 = arith.constant 0 : index
    %get3A_1 = vector.load %arg4[%get3A, %get3A_0] : memref<1024x1xf32, #tpu.memory_space<vmem>>, vector<1024x1xf32>
    %get3A_2 = arith.constant 0 : index
    %get3A_3 = arith.constant 0 : index
    %get3A_4 = vector.load %arg2[%get3A_2, %get3A_3] : memref<1024x128xf32, #tpu.memory_space<vmem>>, vector<1024x128xf32>
    %mul3A = arith.constant 1.000000e-01 : f32
    %mul3A_5 = vector.broadcast %mul3A : f32 to vector<1024x128xf32>
    %mul3A_6 = arith.mulf %mul3A_5, %get3A_4 : vector<1024x128xf32>
    %get3A_7 = arith.constant 0 : index
    %get3A_8 = arith.constant 0 : index
    %get3A_9 = vector.load %arg1[%get3A_7, %get3A_8] : memref<1024x128xf32, #tpu.memory_space<vmem>>, vector<1024x128xf32>
    %mul3A_10 = vector.broadcast %get3A_1 : vector<1024x1xf32> to vector<1024x128xf32>
    %mul3A_11 = arith.mulf %get3A_9, %mul3A_10 : vector<1024x128xf32>
    %mul3A_12 = arith.constant 0.899999976 : f32
    %mul3A_13 = vector.broadcast %mul3A_12 : f32 to vector<1024x128xf32>
    %mul3A_14 = arith.mulf %mul3A_13, %mul3A_11 : vector<1024x128xf32>
    %add3A = arith.addf %mul3A_6, %mul3A_14 : vector<1024x128xf32>
    %get3A_15 = arith.constant 0 : index
    %get3A_16 = arith.constant 0 : index
    %get3A_17 = vector.load %arg3[%get3A_15, %get3A_16] : memref<1024x128xf32, #tpu.memory_space<vmem>>, vector<1024x128xf32>
    %add3A_18 = arith.addf %get3A_17, %add3A : vector<1024x128xf32>
    %mul3A_19 = arith.constant 0.333333343 : f32
    %mul3A_20 = vector.broadcast %mul3A_19 : f32 to vector<1024x128xf32>
    %mul3A_21 = arith.mulf %add3A_18, %mul3A_20 : vector<1024x128xf32>
    %swap3A = arith.constant 0 : index
    %swap3A_22 = arith.constant 0 : index
    %swap3A_23 = vector.load %arg5[%swap3A, %swap3A_22] : memref<1024x128xf32, #tpu.memory_space<vmem>>, vector<1024x128xf32>
    tpu.vector_store %arg5[%swap3A, %swap3A_22], %mul3A_21 {strides = array<i32>} : memref<1024x128xf32, #tpu.memory_space<vmem>>, vector<1024x128xf32>,
    return
  }
  func.func @transform_0(%arg0: i32) -> (i32, i32) {
    %c0_i32 = arith.constant 0 : i32
    %c0_i32_0 = arith.constant 0 : i32
    return %arg0, %c0_i32 : i32, i32
  }
  func.func @transform_1(%arg0: i32) -> (i32, i32) {
    %c0_i32 = arith.constant 0 : i32
    %c0_i32_0 = arith.constant 0 : i32
    return %arg0, %c0_i32 : i32, i32
  }
  func.func @transform_2(%arg0: i32) -> (i32, i32) {
    %c0_i32 = arith.constant 0 : i32
    %c0_i32_0 = arith.constant 0 : i32
    return %arg0, %c0_i32 : i32, i32
  }
  func.func @transform_3(%arg0: i32) -> (i32, i32) {
    %c0_i32 = arith.constant 0 : i32
    %c0_i32_0 = arith.constant 0 : i32
    return %arg0, %c0_i32 : i32, i32
  }
  func.func @transform_4(%arg0: i32) -> (i32, i32) {
    %c0_i32 = arith.constant 0 : i32
    %c0_i32_0 = arith.constant 0 : i32
    return %arg0, %c0_i32 : i32, i32
  }
}

</mosaic_0001>

<sc_bundles>
// kernel: kernel.11.cloned.1.call-start
scs
__scs_entry_jumppad:
0x0: {  	(pc) =	sbr.rel $0x88, $3  }
0x1: {  	(tag) =	ssettag $0x0;
	lr =	simm.s32 $0x1  }
0x2: {  	[smem:$0x3F9E] =	sst lr;
	_ =	strace $0xD0000000  }
0x3: {  	_ = 	snop  }
0x4: {  	_ = 	snop  }
0x5: {  	_ = 	snop  }
0x6: {  	_ = 	snop  }
0x7: {  	_ = 	snop  }
__scs_overlays_trampoline_lowered:
0x8: {  	[smem:$0x3FAD] =	sst s0  }
0x9: {  	[smem:$0x3FAE] =	sst s1  }
0xa: {  	[smem:$0x3FAF] =	sst s2  }
0xb: {  	[smem:$0x3FB0] =	sst s3  }
0xc: {  	[smem:$0x3FB1] =	sst s4  }
0xd: {  	[smem:$0x3FB2] =	sst s5  }
0xe: {  	[smem:$0x3FB3] =	sst s6  }
0xf: {  	[smem:$0x3FB4] =	sst s7  }
0x10: {  	[smem:$0x3FB5] =	sst s8  }
0x11: {  	[smem:$0x3FB6] =	sst s9;
	s0 =	simm.s32 @!p0 $0x0  }
0x12: {  	s1 =	sld [smem:$0x3F9C];
	s0 =	simm.s32 @p0 $0x1  }
0x13: {  	[smem:$0x3FB7] =	sst s0;
	s0 =	simm.s32 @!p1 $0x0  }
0x14: {  	s2 =	sld [smem:$0x3F9B];
	s0 =	simm.s32 @p1 $0x1  }
0x15: {  	[smem:$0x3FB8] =	sst s0;
	s0 =	simm.s32 @!p2 $0x0  }
0x16: {  	s3 =	sld [smem:$0x3FDB];
	s0 =	simm.s32 @p2 $0x1  }
0x17: {  	s4 =	simm.s32 $0x1BF5;
	[smem:$0x3FBA] =	sst s0  }
0x18: {  	s0 =	sld [smem:$0x3F9D];
	_ =	swait.ge [sflag:s4], $0x0  }
0x19: {  	s7 =	sld [smem:$0x3F9E]  }
0x1a: {  	s8 =	sadd.s32 $0xFFFFE003, lr  }
0x1b: {  	s9 =	sadd.s32 $0xFFFFFEF7, lr;
	s5 =	simm.s32 $0xFFFFFFFF;
	p2 =	slt.u32 s8, $0xFFFFF086  }
0x1c: {  	p1 =	slt.u32 s9, $0xF7A;
	s5 =	simm.s32 @!p2 $0x0  }
0x1d: {  	s5 =	simm.s32 @p1 $0x1;
	p0 =	seq.s32 s7, s2  }
0x1e: {  	s7 =	smul.u32 @!p0 $0xF7A, s2;
	p2 =	seq.s32 @!p0 s5, $0x0  }
0x1f: {  	s9 =	smul.u32 $0xF7A, s1;
	s8 =	simm.s32 @!p0 $0x1BF5;
	p2 =	por !p2, p0  }
0x20: {  	[sflag:s8] =	ssyncset.s32 @!p0 $0xFFFFF086;
	s6 =	sadd.s32 @!p0 s3, s7;
	s7 =	simm.s32 @!p0 $0x108  }
0x21: {  	s3 =	sadd.s32 s3, s9;
	s6 =	sadd.s32 @!p0 $0x88, s6;
	s7 =	simm.s32 @p2 $0x1082  }
0x22: {  	[simem:s7], [sflag:s8] =	dma.local @!p0 [hbm:s6], $0xF7A  }
0x23: {  	s9 =	sor.u32 $0xD0000000, s2;
	s6 =	simm.s32 $0x108;
	_ =	swait.ge @!p0 [sflag:s8], $0x0  }
0x24: {  	s3 =	sadd.s32 $0x88, s3;
	s6 =	simm.s32 @!p1 $0x1082;
	[sflag:s4] =	ssyncset.s32 $0xFFFFF086  }
0x25: {  	[simem:s6], [sflag:s4] =	dma.local [hbm:s3], $0xF7A  }
0x26: {  	[smem:$0x3F9E] =	sst s1;
	(tag) =	ssettag s2;
	_ =	strace s9  }
0x27: {  	s1 =	sld [smem:$0x3FAE]  }
0x28: {  	s2 =	sld [smem:$0x3FAF]  }
0x29: {  	s4 =	sld [smem:$0x3FB1]  }
0x2a: {  	p0 =	seq.s32 s5, $0x0;
	s5 =	sld [smem:$0x3FB2]  }
0x2b: {  	s6 =	sld [smem:$0x3FB3]  }
0x2c: {  	s7 =	sld [smem:$0x3FB4]  }
0x2d: {  	s3 =	simm.s32 $0x108;
	s8 =	sld [smem:$0x3FB5]  }
0x2e: {  	s3 =	simm.s32 @!p0 $0x1082;
	s9 =	sld [smem:$0x3FB6]  }
0x2f: {  	lr =	sadd.s32 s0, s3;
	s0 =	sld [smem:$0x3FAD]  }
0x30: {  	s3 =	sld [smem:$0x3FB0]  }
0x31: {  	[smem:$0x3FB9] =	sst s10  }
0x32: {  	s10 =	sld [smem:$0x3FB7];
	_ =	sdelay $0x3  }
0x33: {  	p0 =	seq.s32 s10, $0x1;
	s10 =	sld [smem:$0x3FB9];
	_ =	sdelay $0x3  }
0x34: {  	[smem:$0x3FB9] =	sst s10  }
0x35: {  	s10 =	sld [smem:$0x3FB8];
	_ =	sdelay $0x3  }
0x36: {  	p1 =	seq.s32 s10, $0x1;
	s10 =	sld [smem:$0x3FB9];
	_ =	sdelay $0x3  }
0x37: {  	[smem:$0x3FB9] =	sst s10  }
0x38: {  	s10 =	sld [smem:$0x3FBA]  }
0x39: {  	_ = 	snop;
	(pc) =	sbr.ind lr, $3  }
0x3a: {  	_ = 	snop  }
0x3b: {  	_ = 	snop  }
0x3c: {  	p2 =	seq.s32 s10, $0x1;
	s10 =	sld [smem:$0x3FB9]  }
0x3d: {  	_ =	shalt  }
0x3e: {  	_ =	shalt  }
0x3f: {  	_ =	shalt  }
0x40: {  	_ =	shalt  }
0x41: {  	_ =	shalt  }
0x42: {  	_ =	shalt  }
0x43: {  	_ =	shalt  }
0x44: {  	_ =	shalt  }
0x45: {  	_ =	shalt  }
0x46: {  	_ =	shalt  }
0x47: {  	_ =	shalt  }
0x48: {  	_ =	shalt  }
0x49: {  	_ =	shalt  }
0x4a: {  	_ =	shalt  }
0x4b: {  	_ =	shalt  }
0x4c: {  	_ =	shalt  }
0x4d: {  	_ =	shalt  }
0x4e: {  	_ =	shalt  }
0x4f: {  	_ =	shalt  }
0x50: {  	_ =	shalt  }
0x51: {  	_ =	shalt  }
0x52: {  	_ =	shalt  }
0x53: {  	_ =	shalt  }
0x54: {  	_ =	shalt  }
0x55: {  	_ =	shalt  }
0x56: {  	_ =	shalt  }
0x57: {  	_ =	shalt  }
0x58: {  	_ =	shalt  }
0x59: {  	_ =	shalt  }
0x5a: {  	_ =	shalt  }
0x5b: {  	_ =	shalt  }
0x5c: {  	_ =	shalt  }
0x5d: {  	_ =	shalt  }
0x5e: {  	_ =	shalt  }
0x5f: {  	_ =	shalt  }
0x60: {  	_ =	shalt  }
0x61: {  	_ =	shalt  }
0x62: {  	_ =	shalt  }
0x63: {  	_ =	shalt  }
0x64: {  	_ =	shalt  }
0x65: {  	_ =	shalt  }
0x66: {  	_ =	shalt  }
0x67: {  	_ =	shalt  }
0x68: {  	_ =	shalt  }
0x69: {  	_ =	shalt  }
0x6a: {  	_ =	shalt  }
0x6b: {  	_ =	shalt  }
0x6c: {  	_ =	shalt  }
0x6d: {  	_ =	shalt  }
0x6e: {  	_ =	shalt  }
0x6f: {  	_ =	shalt  }
0x70: {  	_ =	shalt  }
0x71: {  	_ =	shalt  }
0x72: {  	_ =	shalt  }
0x73: {  	_ =	shalt  }
0x74: {  	_ =	shalt  }
0x75: {  	_ =	shalt  }
0x76: {  	_ =	shalt  }
0x77: {  	_ =	shalt  }
0x78: {  	_ =	shalt  }
0x79: {  	_ =	shalt  }
0x7a: {  	_ =	shalt  }
0x7b: {  	_ =	shalt  }
0x7c: {  	_ =	shalt  }
0x7d: {  	_ =	shalt  }
0x7e: {  	_ =	shalt  }
0x7f: {  	_ =	shalt  }
0x80: {  	_ =	shalt  }
0x81: {  	_ =	shalt  }
0x82: {  	_ =	shalt  }
0x83: {  	_ =	shalt  }
0x84: {  	_ =	shalt  }
0x85: {  	_ =	shalt  }
0x86: {  	_ =	shalt  }
0x87: {  	_ =	shalt  }
.Lfunc_end0:
.L_simem_size_0:
called_computation.1_lowered:
.L_overlay_start_0:
0x88: {  	s2 =	sld [smem:$0x3FD9]  }
0x89: {  	s3 =	sld [smem:$0x3FFE];
	_ =	sdelay $0x1  }
0x8a: {  	s1 =	srdreg.scid  }
0x8b: {  	s0 =	sand.u32 $0x1, s1  }
0x8c: {  	s17 =	sshll.u32 s0, $0xA;
	s2 =	sadd.s32 s3, s2  }
0x8d: {  	s2 =	sadd.s32 s2, s17  }
0x8e: {  	[smem:$0x3FC5] =	sst s2  }
0x8f: {  	_ = 	snop  }
0x90: {  	s2 =	sld [smem:$0x3FD0];
	(tm) =	ssettm $0x1  }
0x91: {  	s18 =	sld [smem:$0x3FFB];
	_ =	sdelay $0x3  }
0x92: {  	_ =	strace s18  }
0x93: {  	s3 =	sld [smem:$0x3FFC];
	_ =	sdelay $0x3  }
0x94: {  	_ =	strace s3  }
0x95: {  	s3 =	sld [smem:$0x3FFD];
	_ =	sdelay $0x3  }
0x96: {  	_ =	strace s3  }
0x97: {  	_ =	strace $0x8FFFFFFF  }
0x98: {  	s19 =	sld [smem:$0x3FDB];
	_ =	sdelay $0x1  }
0x99: {  	s4 =	simm.s32 $_scs_section_size  }
0x9a: {  	s5 =	simm.s32 $_size__tile_overlayer_lowered;
	s6 =	simm.s32 $_tile_overlayer_lowered  }
0x9b: {  	s22 =	simm.s32 $0x1BFF;
	s21 =	sshll.u32 s6, $0x1;
	s3 =	sadd.s32 s4, s19  }
0x9c: {  	s7 =	simm.s32 $0x0;
	s20 =	sshll.u32 s5, $0x1;
	s5 =	sadd.s32 s21, s3  }
0x9d: {  	[timem:s7], [sflag:s22] =	dma.local [hbm:s5], s20  }
0x9e: {  	_ =	swait.ge [sflag:s22], s20  }
0x9f: {  	s4 =	ssub.s32 $0x0, s20;
	[sflag:s22] =	ssyncset.done $0x0  }
0xa0: {  	[sflag:s22] =	ssyncadd.s32 s4;
	_ =	sdelay $0x1  }
0xa1: {  	s23 =	simm.s32 $0x1B8B  }
0xa2: {  	_ =	swait.ge [sflag:s23], $0x1  }
0xa3: {  	[sflag:s23] =	ssyncset.done $0x0  }
0xa4: {  	s25 =	simm.s32 $0x1B8E;
	s24 =	sld [smem:$0x3FFE];
	[sflag:s23] =	ssyncadd.s32 $0xFFFFFFFF  }
0xa5: {  	s26 =	simm.s32 $execute0_lowered;
	[smem:$0x3FD2] =	sst s25  }
0xa6: {  	s5 =	sshll.u32 s26, $0x1;
	_ =	strace $0x80000049;
	[dreg:$0x1] =	wrdreg $0xFFFFFFFF  }
0xa7: {  	s28 =	simm.s32 $_size_execute0_lowered;
	s3 =	sadd.s32 s3, s5;
	[dreg:$0x0] =	wrdreg $0x0  }
0xa8: {  	s5 =	sshll.u32 s28, $0x1;
	[dreg:$0x2] =	wrdreg s3  }
0xa9: {  	[dreg:$0x3] =	wrdreg s5  }
0xaa: {  	[dreg:$0x4] =	wrdreg $0xC0  }
0xab: {  	_ =	task [dreg:s7], $0x5FFFF  }
0xac: {  	[dreg:$0x1] =	wrdreg $0xFFFFFFFF  }
0xad: {  	[dreg:$0x0] =	wrdreg $0x60  }
0xae: {  	[dreg:$0x2] =	wrdreg s24  }
0xaf: {  	[dreg:$0x3] =	wrdreg s2  }
0xb0: {  	[dreg:$0x4] =	wrdreg $0xA8000  }
0xb1: {  	[dreg:$0x5] =	wrdreg $0x9  }
0xb2: {  	_ =	task.clear_ibuf [dreg:s7], $0x6FFFF;
	_ =	strace $0x90000049  }
0xb3: {  	s29 =	simm.s32 $0x9;
	_ =	strace $0x8000004B  }
0xb4: {  	_ =	swait.ge [sflag:s29], $0x1  }
0xb5: {  	[sflag:s29] =	ssyncadd.s32 $0xFFFFFFFF  }
0xb6: {  	_ =	strace $0x9000004B  }
0xb7: {  	_ =	sfence  }
0xb8: {  	s30 =	sld [smem:$0x0];
	_ =	sdelay $0x2  }
0xb9: {  	s31 =	sshll.u32 s1, $0xD;
	s1 =	sshrl.u32 s1, $0x2  }
0xba: {  	s3 =	sand.u32 $0x4000, s31;
	s1 =	sadd.s32 s1, s30  }
0xbb: {  	s0 =	sor.u32 s3, s0;
	s1 =	sshll.u32 s1, $0x11  }
0xbc: {  	s0 =	sor.u32 s1, s0  }
0xbd: {  	s0 =	sadd.s32 $0x8F2B, s0  }
0xbe: {  	[sflag:s0] =	ssyncadd.remote.s32 $0x1  }
0xbf: {  	_ =	sfence.sel $0xFFFF  }
0xc0: {  	[dreg:$0x0] =	wrdreg $0xFFFFFFFF;
	(pc) =	sbr.abs _section_cstart, $3  }
0xc1: {  	[dreg:$0x1] =	wrdreg $0xFFFFFFFF  }
0xc2: {  	_ =	task.clear_ibuf [dreg:s7], $0x2FFFF;
	_ =	strace $0x9FFFFFFF  }
0xc3: {  	(tm) =	ssettm $0x7FFFFFFF  }
tec
execute0_lowered:
.L_overlay_start_1:
0x0: {  	(tag) =	ssettag $0x1  }
0x1: {  	s7 =	rddreg [dreg:$0x0]  }
0x2: {  	s12 =	rddreg [dreg:$0x1]  }
0x3: {  	s1 =	rddreg [dreg:$0x2]  }
0x4: {  	s3 =	simm.s32 $0x0;
	s4 =	srdreg.scid;
	s2 =	stileid.u32  }
0x5: {  	s18 =	simm.s32 $0x2800;
	s19 =	simm.s32 $0x6800;
	s20 =	simm.s32 $0x1  }
0x6: {  	s21 =	simm.s32 $0x2;
	s22 =	simm.s32 $0x1380;
	s23 =	simm.s32 $0x2700  }
0x7: {  	s24 =	simm.s32 $0x2780;
	[smem:$0x7FF] =	sst s3;
	s25 =	sand.u32 $0x1, s4  }
0x8: {  	s4 =	sadd.s32 $0x2000, s7;
	s6 =	smul.u32 $0x2F000, s2;
	s11 =	sadd.s32 $0x2A000, s7  }
0x9: {  	s9 =	sadd.s32 $0x7A000, s7;
	s29 =	sshll.u32 s2, $0xF;
	s14 =	smul.u32 $0xA000, s2  }
0xa: {  	s13 =	sshll.u32 s2, $0xC;
	s15 =	smul.u32 $0x1780, s2;
	s17 =	sadd.s32 $0x41700, s7  }
0xb: {  	s31 =	sshll.u32 s2, $0x6;
	_ =	strace $0x8000004A;
	s5 =	ssub.s32 $0x2, s25  }
0xc: {  	p0 =	seq.s32 s25, $0x0;
	s30 =	smul.u32 $0xA0000, s25;
	s16 =	sadd.s32 s13, s9  }
0xd: {  	s8 =	sshrl.u32 s5, $0x1;
	s28 =	sshrl.u32 s6, $0x2;
	s6 =	sadd.s32 s29, s1  }
0xe: {  	s9 =	sadd.s32 s9, s15;
	s11 =	smov.u32 @p0 s12;
	s12 =	smov.u32 @p0 s17  }
0xf: {  	s17 =	simm.s32 $0x80;
	p0 =	sne.s32 s25, $0x0;
	s25 =	simm.s32 $0x0  }
0x10: {  	s10 =	ssub.s32 s5, s8;
	s5 =	sadd.s32 s28, s1;
	s6 =	sadd.s32 $0xBC000, s6  }
0x11: {  	s7 =	sadd.s32 s14, s30;
	s8 =	sadd.s32 $0x17800, s16;
	s11 =	sadd.s32 s11, s15  }
0x12: {  	s12 =	sadd.s32 s13, s12;
	s13 =	sor.u32 $0x1C03, s31;
	s15 =	simm.s32 $0x3  }
0x13: {  	s10 =	smax.u32 s10, $0x1;
	s14 =	sshrl.u32 s5, $0x3;
	s16 =	sshrl.u32 s6, $0x3  }
.LBB2_1:
0x14: {  	[spmem:s14], [sflag:s13] =	dma.local [hbm:s11], $0x1780  }
0x15: {  	_ =	swait.ge [sflag:s15], $0x1780  }
0x16: {  	[sflag:s15] =	ssyncset.done $0x0  }
0x17: {  	[sflag:s15] =	ssyncadd.s32 $0xFFFFE880  }
0x18: {  	[spmem:s16], [sflag:s13] =	dma.local [hbm:s12], $0x1000  }
0x19: {  	_ =	swait.ge [sflag:s15], $0x1000  }
0x1a: {  	[sflag:s15] =	ssyncset.done $0x0  }
0x1b: {  	[sflag:s15] =	ssyncadd.s32 $0xFFFFF000  }
0x1c: {  	s26 =	simm.s32 $0x0;
	[bflag:$0x0] =	sbarrier.arrive $0xFFFF  }
.LBB2_2:
0x1d: {  	s28 =	smul.u32 $0x2800, s26;
	_ =	sdelay $0x1  }
0x1e: {  	s28 =	sadd.s32 s28, s7  }
0x1f: {  	s28 =	sshrl.u32 s28, $0x3  }
0x20: {  	s28 =	sadd.s32 s4, s28  }
0x21: {  	[tilespmem:s3], [sflag:$0x3] =	stream.linear.gather [hbm4b:s28+s3], $0x2800, $0x38;
	[tilespmem:$0x1E400] =	vst v63  }
0x22: {  	_ =	swait.ge [sflag:s15], $0x2800  }
0x23: {  	[sflag:s15] =	ssyncset.done $0x0  }
0x24: {  	[sflag:s15] =	ssyncadd.s32 $0xFFFFD800  }
0x25: {  	[tilespmem:s18], [sflag:$0x1] =	stream.indirect.gather [spmem:s1], $0x80, s3, s17, $0xb8;
	[tilespmem:$0x1E400] =	vst v63  }
0x26: {  	s28 =	simm.s32 $0x80  }
0x27: {  	[tilespmem:s19], [sflag:$0x2] =	stream.indirect.gather [spmem:s1], $0x80, s28, s17, $0xb8;
	[tilespmem:$0x1E400] =	vst v63  }
0x28: {  	_ =	swait.ge [sflag:s20], $0x4000  }
0x29: {  	[sflag:s20] =	ssyncset.done $0x0  }
0x2a: {  	s28 =	simm.s32 $0x1400;
	[sflag:s20] =	ssyncadd.s32 $0xFFFFC000  }
0x2b: {  	[spmem:s1] =	stream.indirect.scatter.add.f32 [tilespmem:s18], [sflag:$0x3], $0x80, s28, s17, $0xb8;
	[tilespmem:$0x1E400] =	vst v63  }
0x2c: {  	_ =	swait.ge [sflag:s15], $0x4000  }
0x2d: {  	[sflag:s15] =	ssyncset.done $0x0  }
0x2e: {  	s28 =	simm.s32 $0x100;
	[sflag:s15] =	ssyncadd.s32 $0xFFFFC000  }
0x2f: {  	[tilespmem:s18], [sflag:$0x1] =	stream.indirect.gather [spmem:s1], $0x80, s28, s17, $0xb8;
	[tilespmem:$0x1E400] =	vst v63  }
0x30: {  	_ =	swait.ge [sflag:s21], $0x4000  }
0x31: {  	[sflag:s21] =	ssyncset.done $0x0  }
0x32: {  	s28 =	simm.s32 $0x1480;
	[sflag:s21] =	ssyncadd.s32 $0xFFFFC000  }
0x33: {  	[spmem:s1] =	stream.indirect.scatter.add.f32 [tilespmem:s19], [sflag:$0x3], $0x80, s28, s17, $0xb8;
	[tilespmem:$0x1E400] =	vst v63  }
0x34: {  	_ =	swait.ge [sflag:s15], $0x4000  }
0x35: {  	s29 =	simm.s32 $0xC00;
	s28 =	simm.s32 $0x200;
	[sflag:s15] =	ssyncset.done $0x0  }
.LBB2_3:
0x36: {  	s30 =	sadd.s32 $0xFFFFFF80, s28  }
0x37: {  	[sflag:s15] =	ssyncadd.s32 $0xFFFFC000;
	s31 =	smov.u32 s29;
	s0 =	sadd.s32 $0x400, s29  }
0x38: {  	[tilespmem:s19], [sflag:$0x2] =	stream.indirect.gather [spmem:s1], $0x80, s30, s17, $0xb8;
	[tilespmem:$0x1E400] =	vst v63  }
0x39: {  	p1 =	sne.s32 s29, $0x4C00;
	_ =	swait.ge [sflag:s20], $0x4000  }
0x3a: {  	[sflag:s20] =	ssyncset.done $0x0  }
0x3b: {  	s29 =	sadd.s32 $0x1300, s28;
	[sflag:s20] =	ssyncadd.s32 $0xFFFFC000  }
0x3c: {  	[spmem:s1] =	stream.indirect.scatter.add.f32 [tilespmem:s18], [sflag:$0x3], $0x80, s29, s17, $0xb8;
	[tilespmem:$0x1E400] =	vst v63  }
0x3d: {  	_ =	swait.ge [sflag:s15], $0x4000  }
0x3e: {  	[sflag:s15] =	ssyncset.done $0x0  }
0x3f: {  	[sflag:s15] =	ssyncadd.s32 $0xFFFFC000  }
0x40: {  	[tilespmem:s18], [sflag:$0x1] =	stream.indirect.gather [spmem:s1], $0x80, s28, s17, $0xb8;
	[tilespmem:$0x1E400] =	vst v63  }
0x41: {  	_ =	swait.ge [sflag:s21], $0x4000  }
.Ltmp0:
0x42: {  	[sflag:s21] =	ssyncset.done $0x0;
	(pc) =	sbr.rel @p1 .LBB2_3-.Ltmp0, $4  }
0x43: {  	s28 =	sadd.s32 $0x1380, s28;
	[sflag:s21] =	ssyncadd.s32 $0xFFFFC000  }
0x44: {  	[spmem:s1] =	stream.indirect.scatter.add.f32 [tilespmem:s19], [sflag:$0x3], $0x80, s28, s17, $0xb8;
	[tilespmem:$0x1E400] =	vst v63  }
0x45: {  	_ =	swait.ge [sflag:s15], $0x4000  }
0x46: {  	s29 =	smov.u32 s0;
	s28 =	sshra.s32 s31, $0x2;
	[sflag:s15] =	ssyncset.done $0x0  }
0x47: {  	s0 =	sadd.s32 $0xFFFFFF80, s28;
	[sflag:s15] =	ssyncadd.s32 $0xFFFFC000  }
0x48: {  	[tilespmem:s19], [sflag:$0x2] =	stream.indirect.gather [spmem:s1], $0x80, s0, s17, $0xb8;
	[tilespmem:$0x1E400] =	vst v63  }
0x49: {  	_ =	swait.ge [sflag:s20], $0x4000  }
0x4a: {  	[sflag:s20] =	ssyncset.done $0x0  }
0x4b: {  	s30 =	sadd.s32 $0x1300, s28;
	[sflag:s20] =	ssyncadd.s32 $0xFFFFC000  }
0x4c: {  	[spmem:s1] =	stream.indirect.scatter.add.f32 [tilespmem:s18], [sflag:$0x3], $0x80, s30, s17, $0xb8;
	[tilespmem:$0x1E400] =	vst v63  }
0x4d: {  	_ =	swait.ge [sflag:s15], $0x4000  }
0x4e: {  	[sflag:s15] =	ssyncset.done $0x0  }
0x4f: {  	[sflag:s15] =	ssyncadd.s32 $0xFFFFC000  }
0x50: {  	[tilespmem:s18], [sflag:$0x1] =	stream.indirect.gather [spmem:s1], $0x80, s28, s17, $0xb8;
	[tilespmem:$0x1E400] =	vst v63  }
0x51: {  	_ =	swait.ge [sflag:s21], $0x4000  }
0x52: {  	[sflag:s21] =	ssyncset.done $0x0  }
0x53: {  	s31 =	sadd.s32 $0x1380, s28;
	[sflag:s21] =	ssyncadd.s32 $0xFFFFC000  }
0x54: {  	[spmem:s1] =	stream.indirect.scatter.add.f32 [tilespmem:s19], [sflag:$0x3], $0x80, s31, s17, $0xb8;
	[tilespmem:$0x1E400] =	vst v63  }
0x55: {  	_ =	swait.ge [sflag:s15], $0x4000  }
0x56: {  	[sflag:s15] =	ssyncset.done $0x0  }
0x57: {  	[sflag:s15] =	ssyncadd.s32 $0xFFFFC000  }
0x58: {  	[tilespmem:s19], [sflag:$0x2] =	stream.indirect.gather [spmem:s1], $0x80, s22, s17, $0xb8;
	[tilespmem:$0x1E400] =	vst v63  }
0x59: {  	_ =	swait.ge [sflag:s20], $0x4000  }
0x5a: {  	[sflag:s20] =	ssyncset.done $0x0  }
0x5b: {  	[sflag:s20] =	ssyncadd.s32 $0xFFFFC000  }
0x5c: {  	[spmem:s1] =	stream.indirect.scatter.add.f32 [tilespmem:s18], [sflag:$0x3], $0x80, s23, s17, $0xb8;
	[tilespmem:$0x1E400] =	vst v63  }
0x5d: {  	_ =	swait.ge [sflag:s15], $0x4000  }
0x5e: {  	[sflag:s15] =	ssyncset.done $0x0  }
0x5f: {  	[sflag:s15] =	ssyncadd.s32 $0xFFFFC000  }
0x60: {  	s26 =	sadd.s32 $0x1, s26;
	_ =	swait.ge [sflag:s21], $0x4000  }
0x61: {  	p1 =	sne.s32 s26, $0x4;
	[sflag:s21] =	ssyncset.done $0x0  }
.Ltmp1:
0x62: {  	[sflag:s21] =	ssyncadd.s32 $0xFFFFC000;
	(pc) =	sbr.rel @p1 .LBB2_2-.Ltmp1, $4  }
0x63: {  	[spmem:s1] =	stream.indirect.scatter.add.f32 [tilespmem:s19], [sflag:$0x3], $0x80, s24, s17, $0xb8;
	[tilespmem:$0x1E400] =	vst v63  }
0x64: {  	_ =	swait.ge [sflag:s15], $0x4000  }
0x65: {  	[sflag:s15] =	ssyncset.done $0x0  }
0x66: {  	[sflag:s15] =	ssyncadd.s32 $0xFFFFC000  }
0x67: {  	[bflag:$0x0] =	sbarrier.arrive $0xFFFF;
	s0 =	sshrl.u32 @p0 s6, $0x3  }
0x68: {  	[hbm:s8], [sflag:s13] =	dma.local @p0 [spmem:s0], $0x1000  }
0x69: {  	s0 =	simm.s32 @p0 $0x3  }
0x6a: {  	_ =	swait.ge @p0 [sflag:s0], $0x1000  }
0x6b: {  	s25 =	sadd.s32 $0x1, s25;
	[sflag:s0] =	ssyncset.done @p0 $0x0  }
0x6c: {  	p1 =	sne.s32 s25, s10;
	[sflag:s0] =	ssyncadd.s32 @p0 $0xFFFFF000;
	s0 =	sshrl.u32 @!p0 s5, $0x3  }
0x6d: {  	[hbm:s9], [sflag:s13] =	dma.local @!p0 [spmem:s0], $0x1780  }
.Ltmp2:
0x6e: {  	_ = 	snop;
	(pc) =	sbr.rel @p1 .LBB2_1-.Ltmp2, $4  }
0x6f: {  	s0 =	simm.s32 @!p0 $0x3  }
0x70: {  	_ =	swait.ge @!p0 [sflag:s0], $0x1780  }
0x71: {  	[sflag:s0] =	ssyncset.done @!p0 $0x0  }
0x72: {  	[sflag:s0] =	ssyncadd.s32 @!p0 $0xFFFFE880  }
0x73: {  	_ =	sfence.sel $0x180000  }
0x74: {  	[bflag:$0x0] =	sbarrier.arrive $0xFFFF  }
0x75: {  	_ =	strace $0x9000004A  }
0x76: {  	[bflag:$0x2] =	sbarrier.arrive $0xFFFF  }
0x77: {  	p0 =	sne.s32 s2, $0x0;
	s0 =	rddreg [dreg:$0x3]  }
0x78: {  	s0 =	sadd.s32 @!p0 $0x100000, s0  }
0x79: {  	[sflag:s0] =	ssyncadd.tile.s32 @!p0 $0x1;
	_ =	shalt  }
.Lfunc_end2:
_tile_overlayer_lowered:
.L_overlay_start_2:
0x7a: {  	(tag) =	ssettag $0x2  }
0x7b: {  	s0 =	rddreg [dreg:$0x0];
	s2 =	stileid.u32  }
0x7c: {  	s1 =	rddreg [dreg:$0x1];
	p0 =	sne.s32 s2, $0x0  }
0x7d: {  	s3 =	rddreg [dreg:$0x2];
	[bflag:$0x3] =	sbarrier.arrive $0xFFFF;
	s2 =	simm.s32 @!p0 $0x1C03  }
0x7e: {  	[timem:s3], [sflag:s2] =	dma.local @!p0 [hbm:s0], s1  }
0x7f: {  	s0 =	simm.s32 @!p0 $0x3  }
0x80: {  	_ =	swait.ge @!p0 [sflag:s0], s1  }
0x81: {  	s1 =	ssub.s32 @!p0 $0x0, s1;
	[sflag:s0] =	ssyncset.done @!p0 $0x0  }
0x82: {  	[sflag:s0] =	ssyncadd.s32 @!p0 s1  }
0x83: {  	[bflag:$0x3] =	sbarrier.arrive $0xFFFF  }
0x84: {  	_ =	shalt  }

// kernel: kernel.14.cloned.1.call-start
scs
__scs_entry_jumppad:
0x0: {  	(pc) =	sbr.rel $0x88, $3  }
0x1: {  	(tag) =	ssettag $0x0;
	lr =	simm.s32 $0x1  }
0x2: {  	[smem:$0x3F9E] =	sst lr;
	_ =	strace $0xD0000000  }
0x3: {  	_ = 	snop  }
0x4: {  	_ = 	snop  }
0x5: {  	_ = 	snop  }
0x6: {  	_ = 	snop  }
0x7: {  	_ = 	snop  }
__scs_overlays_trampoline_lowered:
0x8: {  	[smem:$0x3FAD] =	sst s0  }
0x9: {  	[smem:$0x3FAE] =	sst s1  }
0xa: {  	[smem:$0x3FAF] =	sst s2  }
0xb: {  	[smem:$0x3FB0] =	sst s3  }
0xc: {  	[smem:$0x3FB1] =	sst s4  }
0xd: {  	[smem:$0x3FB2] =	sst s5  }
0xe: {  	[smem:$0x3FB3] =	sst s6  }
0xf: {  	[smem:$0x3FB4] =	sst s7  }
0x10: {  	[smem:$0x3FB5] =	sst s8  }
0x11: {  	[smem:$0x3FB6] =	sst s9;
	s0 =	simm.s32 @!p0 $0x0  }
0x12: {  	s1 =	sld [smem:$0x3F9C];
	s0 =	simm.s32 @p0 $0x1  }
0x13: {  	[smem:$0x3FB7] =	sst s0;
	s0 =	simm.s32 @!p1 $0x0  }
0x14: {  	s2 =	sld [smem:$0x3F9B];
	s0 =	simm.s32 @p1 $0x1  }
0x15: {  	[smem:$0x3FB8] =	sst s0;
	s0 =	simm.s32 @!p2 $0x0  }
0x16: {  	s3 =	sld [smem:$0x3FDB];
	s0 =	simm.s32 @p2 $0x1  }
0x17: {  	s4 =	simm.s32 $0x1BF5;
	[smem:$0x3FBA] =	sst s0  }
0x18: {  	s0 =	sld [smem:$0x3F9D];
	_ =	swait.ge [sflag:s4], $0x0  }
0x19: {  	s7 =	sld [smem:$0x3F9E]  }
0x1a: {  	s8 =	sadd.s32 $0xFFFFE003, lr  }
0x1b: {  	s9 =	sadd.s32 $0xFFFFFEF7, lr;
	s5 =	simm.s32 $0xFFFFFFFF;
	p2 =	slt.u32 s8, $0xFFFFF086  }
0x1c: {  	p1 =	slt.u32 s9, $0xF7A;
	s5 =	simm.s32 @!p2 $0x0  }
0x1d: {  	s5 =	simm.s32 @p1 $0x1;
	p0 =	seq.s32 s7, s2  }
0x1e: {  	s7 =	smul.u32 @!p0 $0xF7A, s2;
	p2 =	seq.s32 @!p0 s5, $0x0  }
0x1f: {  	s9 =	smul.u32 $0xF7A, s1;
	s8 =	simm.s32 @!p0 $0x1BF5;
	p2 =	por !p2, p0  }
0x20: {  	[sflag:s8] =	ssyncset.s32 @!p0 $0xFFFFF086;
	s6 =	sadd.s32 @!p0 s3, s7;
	s7 =	simm.s32 @!p0 $0x108  }
0x21: {  	s3 =	sadd.s32 s3, s9;
	s6 =	sadd.s32 @!p0 $0x88, s6;
	s7 =	simm.s32 @p2 $0x1082  }
0x22: {  	[simem:s7], [sflag:s8] =	dma.local @!p0 [hbm:s6], $0xF7A  }
0x23: {  	s9 =	sor.u32 $0xD0000000, s2;
	s6 =	simm.s32 $0x108;
	_ =	swait.ge @!p0 [sflag:s8], $0x0  }
0x24: {  	s3 =	sadd.s32 $0x88, s3;
	s6 =	simm.s32 @!p1 $0x1082;
	[sflag:s4] =	ssyncset.s32 $0xFFFFF086  }
0x25: {  	[simem:s6], [sflag:s4] =	dma.local [hbm:s3], $0xF7A  }
0x26: {  	[smem:$0x3F9E] =	sst s1;
	(tag) =	ssettag s2;
	_ =	strace s9  }
0x27: {  	s1 =	sld [smem:$0x3FAE]  }
0x28: {  	s2 =	sld [smem:$0x3FAF]  }
0x29: {  	s4 =	sld [smem:$0x3FB1]  }
0x2a: {  	p0 =	seq.s32 s5, $0x0;
	s5 =	sld [smem:$0x3FB2]  }
0x2b: {  	s6 =	sld [smem:$0x3FB3]  }
0x2c: {  	s7 =	sld [smem:$0x3FB4]  }
0x2d: {  	s3 =	simm.s32 $0x108;
	s8 =	sld [smem:$0x3FB5]  }
0x2e: {  	s3 =	simm.s32 @!p0 $0x1082;
	s9 =	sld [smem:$0x3FB6]  }
0x2f: {  	lr =	sadd.s32 s0, s3;
	s0 =	sld [smem:$0x3FAD]  }
0x30: {  	s3 =	sld [smem:$0x3FB0]  }
0x31: {  	[smem:$0x3FB9] =	sst s10  }
0x32: {  	s10 =	sld [smem:$0x3FB7];
	_ =	sdelay $0x3  }
0x33: {  	p0 =	seq.s32 s10, $0x1;
	s10 =	sld [smem:$0x3FB9];
	_ =	sdelay $0x3  }
0x34: {  	[smem:$0x3FB9] =	sst s10  }
0x35: {  	s10 =	sld [smem:$0x3FB8];
	_ =	sdelay $0x3  }
0x36: {  	p1 =	seq.s32 s10, $0x1;
	s10 =	sld [smem:$0x3FB9];
	_ =	sdelay $0x3  }
0x37: {  	[smem:$0x3FB9] =	sst s10  }
0x38: {  	s10 =	sld [smem:$0x3FBA]  }
0x39: {  	_ = 	snop;
	(pc) =	sbr.ind lr, $3  }
0x3a: {  	_ = 	snop  }
0x3b: {  	_ = 	snop  }
0x3c: {  	p2 =	seq.s32 s10, $0x1;
	s10 =	sld [smem:$0x3FB9]  }
0x3d: {  	_ =	shalt  }
0x3e: {  	_ =	shalt  }
0x3f: {  	_ =	shalt  }
0x40: {  	_ =	shalt  }
0x41: {  	_ =	shalt  }
0x42: {  	_ =	shalt  }
0x43: {  	_ =	shalt  }
0x44: {  	_ =	shalt  }
0x45: {  	_ =	shalt  }
0x46: {  	_ =	shalt  }
0x47: {  	_ =	shalt  }
0x48: {  	_ =	shalt  }
0x49: {  	_ =	shalt  }
0x4a: {  	_ =	shalt  }
0x4b: {  	_ =	shalt  }
0x4c: {  	_ =	shalt  }
0x4d: {  	_ =	shalt  }
0x4e: {  	_ =	shalt  }
0x4f: {  	_ =	shalt  }
0x50: {  	_ =	shalt  }
0x51: {  	_ =	shalt  }
0x52: {  	_ =	shalt  }
0x53: {  	_ =	shalt  }
0x54: {  	_ =	shalt  }
0x55: {  	_ =	shalt  }
0x56: {  	_ =	shalt  }
0x57: {  	_ =	shalt  }
0x58: {  	_ =	shalt  }
0x59: {  	_ =	shalt  }
0x5a: {  	_ =	shalt  }
0x5b: {  	_ =	shalt  }
0x5c: {  	_ =	shalt  }
0x5d: {  	_ =	shalt  }
0x5e: {  	_ =	shalt  }
0x5f: {  	_ =	shalt  }
0x60: {  	_ =	shalt  }
0x61: {  	_ =	shalt  }
0x62: {  	_ =	shalt  }
0x63: {  	_ =	shalt  }
0x64: {  	_ =	shalt  }
0x65: {  	_ =	shalt  }
0x66: {  	_ =	shalt  }
0x67: {  	_ =	shalt  }
0x68: {  	_ =	shalt  }
0x69: {  	_ =	shalt  }
0x6a: {  	_ =	shalt  }
0x6b: {  	_ =	shalt  }
0x6c: {  	_ =	shalt  }
0x6d: {  	_ =	shalt  }
0x6e: {  	_ =	shalt  }
0x6f: {  	_ =	shalt  }
0x70: {  	_ =	shalt  }
0x71: {  	_ =	shalt  }
0x72: {  	_ =	shalt  }
0x73: {  	_ =	shalt  }
0x74: {  	_ =	shalt  }
0x75: {  	_ =	shalt  }
0x76: {  	_ =	shalt  }
0x77: {  	_ =	shalt  }
0x78: {  	_ =	shalt  }
0x79: {  	_ =	shalt  }
0x7a: {  	_ =	shalt  }
0x7b: {  	_ =	shalt  }
0x7c: {  	_ =	shalt  }
0x7d: {  	_ =	shalt  }
0x7e: {  	_ =	shalt  }
0x7f: {  	_ =	shalt  }
0x80: {  	_ =	shalt  }
0x81: {  	_ =	shalt  }
0x82: {  	_ =	shalt  }
0x83: {  	_ =	shalt  }
0x84: {  	_ =	shalt  }
0x85: {  	_ =	shalt  }
0x86: {  	_ =	shalt  }
0x87: {  	_ =	shalt  }
.Lfunc_end0:
.L_simem_size_0:
called_computation.2_lowered:
.L_overlay_start_0:
0x88: {  	s2 =	sld [smem:$0x3FD9]  }
0x89: {  	s3 =	sld [smem:$0x3FFE];
	_ =	sdelay $0x1  }
0x8a: {  	s1 =	srdreg.scid  }
0x8b: {  	s0 =	sand.u32 $0x1, s1  }
0x8c: {  	s17 =	sshll.u32 s0, $0xA;
	s2 =	sadd.s32 s3, s2  }
0x8d: {  	s2 =	sadd.s32 s2, s17  }
0x8e: {  	[smem:$0x3FC5] =	sst s2  }
0x8f: {  	_ = 	snop  }
0x90: {  	s2 =	sld [smem:$0x3FD0];
	(tm) =	ssettm $0x1  }
0x91: {  	s18 =	sld [smem:$0x3FFB];
	_ =	sdelay $0x3  }
0x92: {  	_ =	strace s18  }
0x93: {  	s3 =	sld [smem:$0x3FFC];
	_ =	sdelay $0x3  }
0x94: {  	_ =	strace s3  }
0x95: {  	s3 =	sld [smem:$0x3FFD];
	_ =	sdelay $0x3  }
0x96: {  	_ =	strace s3  }
0x97: {  	_ =	strace $0x8FFFFFFF  }
0x98: {  	s19 =	sld [smem:$0x3FDB];
	_ =	sdelay $0x1  }
0x99: {  	s4 =	simm.s32 $_scs_section_size  }
0x9a: {  	s5 =	simm.s32 $_size__tile_overlayer_lowered;
	s6 =	simm.s32 $_tile_overlayer_lowered  }
0x9b: {  	s22 =	simm.s32 $0x1BFF;
	s21 =	sshll.u32 s6, $0x1;
	s3 =	sadd.s32 s4, s19  }
0x9c: {  	s7 =	simm.s32 $0x0;
	s20 =	sshll.u32 s5, $0x1;
	s5 =	sadd.s32 s21, s3  }
0x9d: {  	[timem:s7], [sflag:s22] =	dma.local [hbm:s5], s20  }
0x9e: {  	_ =	swait.ge [sflag:s22], s20  }
0x9f: {  	s4 =	ssub.s32 $0x0, s20;
	[sflag:s22] =	ssyncset.done $0x0  }
0xa0: {  	[sflag:s22] =	ssyncadd.s32 s4;
	_ =	sdelay $0x1  }
0xa1: {  	s23 =	simm.s32 $0x1B8B  }
0xa2: {  	_ =	swait.ge [sflag:s23], $0x1  }
0xa3: {  	[sflag:s23] =	ssyncset.done $0x0  }
0xa4: {  	s25 =	simm.s32 $0x1B8E;
	s24 =	sld [smem:$0x3FFE];
	[sflag:s23] =	ssyncadd.s32 $0xFFFFFFFF  }
0xa5: {  	s26 =	simm.s32 $execute0_lowered;
	[smem:$0x3FD2] =	sst s25  }
0xa6: {  	s5 =	sshll.u32 s26, $0x1;
	_ =	strace $0x8000004C;
	[dreg:$0x1] =	wrdreg $0xFFFFFFFF  }
0xa7: {  	s28 =	simm.s32 $_size_execute0_lowered;
	s3 =	sadd.s32 s3, s5;
	[dreg:$0x0] =	wrdreg $0x0  }
0xa8: {  	s5 =	sshll.u32 s28, $0x1;
	[dreg:$0x2] =	wrdreg s3  }
0xa9: {  	[dreg:$0x3] =	wrdreg s5  }
0xaa: {  	[dreg:$0x4] =	wrdreg $0xC0  }
0xab: {  	_ =	task [dreg:s7], $0x5FFFF  }
0xac: {  	[dreg:$0x1] =	wrdreg $0xFFFFFFFF  }
0xad: {  	[dreg:$0x0] =	wrdreg $0x60  }
0xae: {  	[dreg:$0x2] =	wrdreg s24  }
0xaf: {  	[dreg:$0x3] =	wrdreg s2  }
0xb0: {  	[dreg:$0x4] =	wrdreg $0xA8000  }
0xb1: {  	[dreg:$0x5] =	wrdreg $0x9  }
0xb2: {  	_ =	task.clear_ibuf [dreg:s7], $0x6FFFF;
	_ =	strace $0x9000004C  }
0xb3: {  	s29 =	simm.s32 $0x9;
	_ =	strace $0x8000004E  }
0xb4: {  	_ =	swait.ge [sflag:s29], $0x1  }
0xb5: {  	[sflag:s29] =	ssyncadd.s32 $0xFFFFFFFF  }
0xb6: {  	_ =	strace $0x9000004E  }
0xb7: {  	_ =	sfence  }
0xb8: {  	s30 =	sld [smem:$0x0];
	_ =	sdelay $0x2  }
0xb9: {  	s31 =	sshll.u32 s1, $0xD;
	s1 =	sshrl.u32 s1, $0x2  }
0xba: {  	s3 =	sand.u32 $0x4000, s31;
	s1 =	sadd.s32 s1, s30  }
0xbb: {  	s0 =	sor.u32 s3, s0;
	s1 =	sshll.u32 s1, $0x11  }
0xbc: {  	s0 =	sor.u32 s1, s0  }
0xbd: {  	s0 =	sadd.s32 $0x8F2B, s0  }
0xbe: {  	[sflag:s0] =	ssyncadd.remote.s32 $0x1  }
0xbf: {  	_ =	sfence.sel $0xFFFF  }
0xc0: {  	[dreg:$0x0] =	wrdreg $0xFFFFFFFF;
	(pc) =	sbr.abs _section_cstart, $3  }
0xc1: {  	[dreg:$0x1] =	wrdreg $0xFFFFFFFF  }
0xc2: {  	_ =	task.clear_ibuf [dreg:s7], $0x2FFFF;
	_ =	strace $0x9FFFFFFF  }
0xc3: {  	(tm) =	ssettm $0x7FFFFFFF  }
tec
execute0_lowered:
.L_overlay_start_1:
0x0: {  	(tag) =	ssettag $0x1  }
0x1: {  	s7 =	rddreg [dreg:$0x0]  }
0x2: {  	s12 =	rddreg [dreg:$0x1]  }
0x3: {  	s1 =	rddreg [dreg:$0x2]  }
0x4: {  	s3 =	simm.s32 $0x0;
	s4 =	srdreg.scid;
	s2 =	stileid.u32  }
0x5: {  	s18 =	simm.s32 $0x2800;
	s19 =	simm.s32 $0x6800;
	s20 =	simm.s32 $0x1  }
0x6: {  	s21 =	simm.s32 $0x2;
	s22 =	simm.s32 $0x1380;
	s23 =	simm.s32 $0x2700  }
0x7: {  	s24 =	simm.s32 $0x2780;
	[smem:$0x7FF] =	sst s3;
	s25 =	sand.u32 $0x1, s4  }
0x8: {  	s4 =	sadd.s32 $0x2000, s7;
	s6 =	smul.u32 $0x2F000, s2;
	s11 =	sadd.s32 $0x2A000, s7  }
0x9: {  	s9 =	sadd.s32 $0x7A000, s7;
	s29 =	sshll.u32 s2, $0xF;
	s14 =	smul.u32 $0xA000, s2  }
0xa: {  	s13 =	sshll.u32 s2, $0xC;
	s15 =	smul.u32 $0x1780, s2;
	s17 =	sadd.s32 $0x41700, s7  }
0xb: {  	s31 =	sshll.u32 s2, $0x6;
	_ =	strace $0x8000004D;
	s5 =	ssub.s32 $0x2, s25  }
0xc: {  	p0 =	seq.s32 s25, $0x0;
	s30 =	smul.u32 $0xA0000, s25;
	s16 =	sadd.s32 s13, s9  }
0xd: {  	s8 =	sshrl.u32 s5, $0x1;
	s28 =	sshrl.u32 s6, $0x2;
	s6 =	sadd.s32 s29, s1  }
0xe: {  	s9 =	sadd.s32 s9, s15;
	s11 =	smov.u32 @p0 s12;
	s12 =	smov.u32 @p0 s17  }
0xf: {  	s17 =	simm.s32 $0x80;
	p0 =	sne.s32 s25, $0x0;
	s25 =	simm.s32 $0x0  }
0x10: {  	s10 =	ssub.s32 s5, s8;
	s5 =	sadd.s32 s28, s1;
	s6 =	sadd.s32 $0xBC000, s6  }
0x11: {  	s7 =	sadd.s32 s14, s30;
	s8 =	sadd.s32 $0x17800, s16;
	s11 =	sadd.s32 s11, s15  }
0x12: {  	s12 =	sadd.s32 s13, s12;
	s13 =	sor.u32 $0x1C03, s31;
	s15 =	simm.s32 $0x3  }
0x13: {  	s10 =	smax.u32 s10, $0x1;
	s14 =	sshrl.u32 s5, $0x3;
	s16 =	sshrl.u32 s6, $0x3  }
.LBB2_1:
0x14: {  	[spmem:s14], [sflag:s13] =	dma.local [hbm:s11], $0x1780  }
0x15: {  	_ =	swait.ge [sflag:s15], $0x1780  }
0x16: {  	[sflag:s15] =	ssyncset.done $0x0  }
0x17: {  	[sflag:s15] =	ssyncadd.s32 $0xFFFFE880  }
0x18: {  	[spmem:s16], [sflag:s13] =	dma.local [hbm:s12], $0x1000  }
0x19: {  	_ =	swait.ge [sflag:s15], $0x1000  }
0x1a: {  	[sflag:s15] =	ssyncset.done $0x0  }
0x1b: {  	[sflag:s15] =	ssyncadd.s32 $0xFFFFF000  }
0x1c: {  	s26 =	simm.s32 $0x0;
	[bflag:$0x0] =	sbarrier.arrive $0xFFFF  }
.LBB2_2:
0x1d: {  	s28 =	smul.u32 $0x2800, s26;
	_ =	sdelay $0x1  }
0x1e: {  	s28 =	sadd.s32 s28, s7  }
0x1f: {  	s28 =	sshrl.u32 s28, $0x3  }
0x20: {  	s28 =	sadd.s32 s4, s28  }
0x21: {  	[tilespmem:s3], [sflag:$0x3] =	stream.linear.gather [hbm4b:s28+s3], $0x2800, $0x38;
	[tilespmem:$0x1E400] =	vst v63  }
0x22: {  	_ =	swait.ge [sflag:s15], $0x2800  }
0x23: {  	[sflag:s15] =	ssyncset.done $0x0  }
0x24: {  	[sflag:s15] =	ssyncadd.s32 $0xFFFFD800  }
0x25: {  	[tilespmem:s18], [sflag:$0x1] =	stream.indirect.gather [spmem:s1], $0x80, s3, s17, $0xb8;
	[tilespmem:$0x1E400] =	vst v63  }
0x26: {  	s28 =	simm.s32 $0x80  }
0x27: {  	[tilespmem:s19], [sflag:$0x2] =	stream.indirect.gather [spmem:s1], $0x80, s28, s17, $0xb8;
	[tilespmem:$0x1E400] =	vst v63  }
0x28: {  	_ =	swait.ge [sflag:s20], $0x4000  }
0x29: {  	[sflag:s20] =	ssyncset.done $0x0  }
0x2a: {  	s28 =	simm.s32 $0x1400;
	[sflag:s20] =	ssyncadd.s32 $0xFFFFC000  }
0x2b: {  	[spmem:s1] =	stream.indirect.scatter.add.f32 [tilespmem:s18], [sflag:$0x3], $0x80, s28, s17, $0xb8;
	[tilespmem:$0x1E400] =	vst v63  }
0x2c: {  	_ =	swait.ge [sflag:s15], $0x4000  }
0x2d: {  	[sflag:s15] =	ssyncset.done $0x0  }
0x2e: {  	s28 =	simm.s32 $0x100;
	[sflag:s15] =	ssyncadd.s32 $0xFFFFC000  }
0x2f: {  	[tilespmem:s18], [sflag:$0x1] =	stream.indirect.gather [spmem:s1], $0x80, s28, s17, $0xb8;
	[tilespmem:$0x1E400] =	vst v63  }
0x30: {  	_ =	swait.ge [sflag:s21], $0x4000  }
0x31: {  	[sflag:s21] =	ssyncset.done $0x0  }
0x32: {  	s28 =	simm.s32 $0x1480;
	[sflag:s21] =	ssyncadd.s32 $0xFFFFC000  }
0x33: {  	[spmem:s1] =	stream.indirect.scatter.add.f32 [tilespmem:s19], [sflag:$0x3], $0x80, s28, s17, $0xb8;
	[tilespmem:$0x1E400] =	vst v63  }
0x34: {  	_ =	swait.ge [sflag:s15], $0x4000  }
0x35: {  	s29 =	simm.s32 $0xC00;
	s28 =	simm.s32 $0x200;
	[sflag:s15] =	ssyncset.done $0x0  }
.LBB2_3:
0x36: {  	s30 =	sadd.s32 $0xFFFFFF80, s28  }
0x37: {  	[sflag:s15] =	ssyncadd.s32 $0xFFFFC000;
	s31 =	smov.u32 s29;
	s0 =	sadd.s32 $0x400, s29  }
0x38: {  	[tilespmem:s19], [sflag:$0x2] =	stream.indirect.gather [spmem:s1], $0x80, s30, s17, $0xb8;
	[tilespmem:$0x1E400] =	vst v63  }
0x39: {  	p1 =	sne.s32 s29, $0x4C00;
	_ =	swait.ge [sflag:s20], $0x4000  }
0x3a: {  	[sflag:s20] =	ssyncset.done $0x0  }
0x3b: {  	s29 =	sadd.s32 $0x1300, s28;
	[sflag:s20] =	ssyncadd.s32 $0xFFFFC000  }
0x3c: {  	[spmem:s1] =	stream.indirect.scatter.add.f32 [tilespmem:s18], [sflag:$0x3], $0x80, s29, s17, $0xb8;
	[tilespmem:$0x1E400] =	vst v63  }
0x3d: {  	_ =	swait.ge [sflag:s15], $0x4000  }
0x3e: {  	[sflag:s15] =	ssyncset.done $0x0  }
0x3f: {  	[sflag:s15] =	ssyncadd.s32 $0xFFFFC000  }
0x40: {  	[tilespmem:s18], [sflag:$0x1] =	stream.indirect.gather [spmem:s1], $0x80, s28, s17, $0xb8;
	[tilespmem:$0x1E400] =	vst v63  }
0x41: {  	_ =	swait.ge [sflag:s21], $0x4000  }
.Ltmp0:
0x42: {  	[sflag:s21] =	ssyncset.done $0x0;
	(pc) =	sbr.rel @p1 .LBB2_3-.Ltmp0, $4  }
0x43: {  	s28 =	sadd.s32 $0x1380, s28;
	[sflag:s21] =	ssyncadd.s32 $0xFFFFC000  }
0x44: {  	[spmem:s1] =	stream.indirect.scatter.add.f32 [tilespmem:s19], [sflag:$0x3], $0x80, s28, s17, $0xb8;
	[tilespmem:$0x1E400] =	vst v63  }
0x45: {  	_ =	swait.ge [sflag:s15], $0x4000  }
0x46: {  	s29 =	smov.u32 s0;
	s28 =	sshra.s32 s31, $0x2;
	[sflag:s15] =	ssyncset.done $0x0  }
0x47: {  	s0 =	sadd.s32 $0xFFFFFF80, s28;
	[sflag:s15] =	ssyncadd.s32 $0xFFFFC000  }
0x48: {  	[tilespmem:s19], [sflag:$0x2] =	stream.indirect.gather [spmem:s1], $0x80, s0, s17, $0xb8;
	[tilespmem:$0x1E400] =	vst v63  }
0x49: {  	_ =	swait.ge [sflag:s20], $0x4000  }
0x4a: {  	[sflag:s20] =	ssyncset.done $0x0  }
0x4b: {  	s30 =	sadd.s32 $0x1300, s28;
	[sflag:s20] =	ssyncadd.s32 $0xFFFFC000  }
0x4c: {  	[spmem:s1] =	stream.indirect.scatter.add.f32 [tilespmem:s18], [sflag:$0x3], $0x80, s30, s17, $0xb8;
	[tilespmem:$0x1E400] =	vst v63  }
0x4d: {  	_ =	swait.ge [sflag:s15], $0x4000  }
0x4e: {  	[sflag:s15] =	ssyncset.done $0x0  }
0x4f: {  	[sflag:s15] =	ssyncadd.s32 $0xFFFFC000  }
0x50: {  	[tilespmem:s18], [sflag:$0x1] =	stream.indirect.gather [spmem:s1], $0x80, s28, s17, $0xb8;
	[tilespmem:$0x1E400] =	vst v63  }
0x51: {  	_ =	swait.ge [sflag:s21], $0x4000  }
0x52: {  	[sflag:s21] =	ssyncset.done $0x0  }
0x53: {  	s31 =	sadd.s32 $0x1380, s28;
	[sflag:s21] =	ssyncadd.s32 $0xFFFFC000  }
0x54: {  	[spmem:s1] =	stream.indirect.scatter.add.f32 [tilespmem:s19], [sflag:$0x3], $0x80, s31, s17, $0xb8;
	[tilespmem:$0x1E400] =	vst v63  }
0x55: {  	_ =	swait.ge [sflag:s15], $0x4000  }
0x56: {  	[sflag:s15] =	ssyncset.done $0x0  }
0x57: {  	[sflag:s15] =	ssyncadd.s32 $0xFFFFC000  }
0x58: {  	[tilespmem:s19], [sflag:$0x2] =	stream.indirect.gather [spmem:s1], $0x80, s22, s17, $0xb8;
	[tilespmem:$0x1E400] =	vst v63  }
0x59: {  	_ =	swait.ge [sflag:s20], $0x4000  }
0x5a: {  	[sflag:s20] =	ssyncset.done $0x0  }
0x5b: {  	[sflag:s20] =	ssyncadd.s32 $0xFFFFC000  }
0x5c: {  	[spmem:s1] =	stream.indirect.scatter.add.f32 [tilespmem:s18], [sflag:$0x3], $0x80, s23, s17, $0xb8;
	[tilespmem:$0x1E400] =	vst v63  }
0x5d: {  	_ =	swait.ge [sflag:s15], $0x4000  }
0x5e: {  	[sflag:s15] =	ssyncset.done $0x0  }
0x5f: {  	[sflag:s15] =	ssyncadd.s32 $0xFFFFC000  }
0x60: {  	s26 =	sadd.s32 $0x1, s26;
	_ =	swait.ge [sflag:s21], $0x4000  }
0x61: {  	p1 =	sne.s32 s26, $0x4;
	[sflag:s21] =	ssyncset.done $0x0  }
.Ltmp1:
0x62: {  	[sflag:s21] =	ssyncadd.s32 $0xFFFFC000;
	(pc) =	sbr.rel @p1 .LBB2_2-.Ltmp1, $4  }
0x63: {  	[spmem:s1] =	stream.indirect.scatter.add.f32 [tilespmem:s19], [sflag:$0x3], $0x80, s24, s17, $0xb8;
	[tilespmem:$0x1E400] =	vst v63  }
0x64: {  	_ =	swait.ge [sflag:s15], $0x4000  }
0x65: {  	[sflag:s15] =	ssyncset.done $0x0  }
0x66: {  	[sflag:s15] =	ssyncadd.s32 $0xFFFFC000  }
0x67: {  	[bflag:$0x0] =	sbarrier.arrive $0xFFFF;
	s0 =	sshrl.u32 @p0 s6, $0x3  }
0x68: {  	[hbm:s8], [sflag:s13] =	dma.local @p0 [spmem:s0], $0x1000  }
0x69: {  	s0 =	simm.s32 @p0 $0x3  }
0x6a: {  	_ =	swait.ge @p0 [sflag:s0], $0x1000  }
0x6b: {  	s25 =	sadd.s32 $0x1, s25;
	[sflag:s0] =	ssyncset.done @p0 $0x0  }
0x6c: {  	p1 =	sne.s32 s25, s10;
	[sflag:s0] =	ssyncadd.s32 @p0 $0xFFFFF000;
	s0 =	sshrl.u32 @!p0 s5, $0x3  }
0x6d: {  	[hbm:s9], [sflag:s13] =	dma.local @!p0 [spmem:s0], $0x1780  }
.Ltmp2:
0x6e: {  	_ = 	snop;
	(pc) =	sbr.rel @p1 .LBB2_1-.Ltmp2, $4  }
0x6f: {  	s0 =	simm.s32 @!p0 $0x3  }
0x70: {  	_ =	swait.ge @!p0 [sflag:s0], $0x1780  }
0x71: {  	[sflag:s0] =	ssyncset.done @!p0 $0x0  }
0x72: {  	[sflag:s0] =	ssyncadd.s32 @!p0 $0xFFFFE880  }
0x73: {  	_ =	sfence.sel $0x180000  }
0x74: {  	[bflag:$0x0] =	sbarrier.arrive $0xFFFF  }
0x75: {  	_ =	strace $0x9000004D  }
0x76: {  	[bflag:$0x2] =	sbarrier.arrive $0xFFFF  }
0x77: {  	p0 =	sne.s32 s2, $0x0;
	s0 =	rddreg [dreg:$0x3]  }
0x78: {  	s0 =	sadd.s32 @!p0 $0x100000, s0  }
0x79: {  	[sflag:s0] =	ssyncadd.tile.s32 @!p0 $0x1;
	_ =	shalt  }
.Lfunc_end2:
_tile_overlayer_lowered:
.L_overlay_start_2:
0x7a: {  	(tag) =	ssettag $0x2  }
0x7b: {  	s0 =	rddreg [dreg:$0x0];
	s2 =	stileid.u32  }
0x7c: {  	s1 =	rddreg [dreg:$0x1];
	p0 =	sne.s32 s2, $0x0  }
0x7d: {  	s3 =	rddreg [dreg:$0x2];
	[bflag:$0x3] =	sbarrier.arrive $0xFFFF;
	s2 =	simm.s32 @!p0 $0x1C03  }
0x7e: {  	[timem:s3], [sflag:s2] =	dma.local @!p0 [hbm:s0], s1  }
0x7f: {  	s0 =	simm.s32 @!p0 $0x3  }
0x80: {  	_ =	swait.ge @!p0 [sflag:s0], s1  }
0x81: {  	s1 =	ssub.s32 @!p0 $0x0, s1;
	[sflag:s0] =	ssyncset.done @!p0 $0x0  }
0x82: {  	[sflag:s0] =	ssyncadd.s32 @!p0 s1  }
0x83: {  	[bflag:$0x3] =	sbarrier.arrive $0xFFFF  }
0x84: {  	_ =	shalt  }

// kernel: kernel.8.cloned.1.call-start
scs
__scs_entry_jumppad:
0x0: {  	(pc) =	sbr.rel $0x88, $3  }
0x1: {  	(tag) =	ssettag $0x0;
	lr =	simm.s32 $0x1  }
0x2: {  	[smem:$0x3F9E] =	sst lr;
	_ =	strace $0xD0000000  }
0x3: {  	_ = 	snop  }
0x4: {  	_ = 	snop  }
0x5: {  	_ = 	snop  }
0x6: {  	_ = 	snop  }
0x7: {  	_ = 	snop  }
__scs_overlays_trampoline_lowered:
0x8: {  	[smem:$0x3FAD] =	sst s0  }
0x9: {  	[smem:$0x3FAE] =	sst s1  }
0xa: {  	[smem:$0x3FAF] =	sst s2  }
0xb: {  	[smem:$0x3FB0] =	sst s3  }
0xc: {  	[smem:$0x3FB1] =	sst s4  }
0xd: {  	[smem:$0x3FB2] =	sst s5  }
0xe: {  	[smem:$0x3FB3] =	sst s6  }
0xf: {  	[smem:$0x3FB4] =	sst s7  }
0x10: {  	[smem:$0x3FB5] =	sst s8  }
0x11: {  	[smem:$0x3FB6] =	sst s9;
	s0 =	simm.s32 @!p0 $0x0  }
0x12: {  	s1 =	sld [smem:$0x3F9C];
	s0 =	simm.s32 @p0 $0x1  }
0x13: {  	[smem:$0x3FB7] =	sst s0;
	s0 =	simm.s32 @!p1 $0x0  }
0x14: {  	s2 =	sld [smem:$0x3F9B];
	s0 =	simm.s32 @p1 $0x1  }
0x15: {  	[smem:$0x3FB8] =	sst s0;
	s0 =	simm.s32 @!p2 $0x0  }
0x16: {  	s3 =	sld [smem:$0x3FDB];
	s0 =	simm.s32 @p2 $0x1  }
0x17: {  	s4 =	simm.s32 $0x1BF5;
	[smem:$0x3FBA] =	sst s0  }
0x18: {  	s0 =	sld [smem:$0x3F9D];
	_ =	swait.ge [sflag:s4], $0x0  }
0x19: {  	s7 =	sld [smem:$0x3F9E]  }
0x1a: {  	s8 =	sadd.s32 $0xFFFFE003, lr  }
0x1b: {  	s9 =	sadd.s32 $0xFFFFFEF7, lr;
	s5 =	simm.s32 $0xFFFFFFFF;
	p2 =	slt.u32 s8, $0xFFFFF086  }
0x1c: {  	p1 =	slt.u32 s9, $0xF7A;
	s5 =	simm.s32 @!p2 $0x0  }
0x1d: {  	s5 =	simm.s32 @p1 $0x1;
	p0 =	seq.s32 s7, s2  }
0x1e: {  	s7 =	smul.u32 @!p0 $0xF7A, s2;
	p2 =	seq.s32 @!p0 s5, $0x0  }
0x1f: {  	s9 =	smul.u32 $0xF7A, s1;
	s8 =	simm.s32 @!p0 $0x1BF5;
	p2 =	por !p2, p0  }
0x20: {  	[sflag:s8] =	ssyncset.s32 @!p0 $0xFFFFF086;
	s6 =	sadd.s32 @!p0 s3, s7;
	s7 =	simm.s32 @!p0 $0x108  }
0x21: {  	s3 =	sadd.s32 s3, s9;
	s6 =	sadd.s32 @!p0 $0x88, s6;
	s7 =	simm.s32 @p2 $0x1082  }
0x22: {  	[simem:s7], [sflag:s8] =	dma.local @!p0 [hbm:s6], $0xF7A  }
0x23: {  	s9 =	sor.u32 $0xD0000000, s2;
	s6 =	simm.s32 $0x108;
	_ =	swait.ge @!p0 [sflag:s8], $0x0  }
0x24: {  	s3 =	sadd.s32 $0x88, s3;
	s6 =	simm.s32 @!p1 $0x1082;
	[sflag:s4] =	ssyncset.s32 $0xFFFFF086  }
0x25: {  	[simem:s6], [sflag:s4] =	dma.local [hbm:s3], $0xF7A  }
0x26: {  	[smem:$0x3F9E] =	sst s1;
	(tag) =	ssettag s2;
	_ =	strace s9  }
0x27: {  	s1 =	sld [smem:$0x3FAE]  }
0x28: {  	s2 =	sld [smem:$0x3FAF]  }
0x29: {  	s4 =	sld [smem:$0x3FB1]  }
0x2a: {  	p0 =	seq.s32 s5, $0x0;
	s5 =	sld [smem:$0x3FB2]  }
0x2b: {  	s6 =	sld [smem:$0x3FB3]  }
0x2c: {  	s7 =	sld [smem:$0x3FB4]  }
0x2d: {  	s3 =	simm.s32 $0x108;
	s8 =	sld [smem:$0x3FB5]  }
0x2e: {  	s3 =	simm.s32 @!p0 $0x1082;
	s9 =	sld [smem:$0x3FB6]  }
0x2f: {  	lr =	sadd.s32 s0, s3;
	s0 =	sld [smem:$0x3FAD]  }
0x30: {  	s3 =	sld [smem:$0x3FB0]  }
0x31: {  	[smem:$0x3FB9] =	sst s10  }
0x32: {  	s10 =	sld [smem:$0x3FB7];
	_ =	sdelay $0x3  }
0x33: {  	p0 =	seq.s32 s10, $0x1;
	s10 =	sld [smem:$0x3FB9];
	_ =	sdelay $0x3  }
0x34: {  	[smem:$0x3FB9] =	sst s10  }
0x35: {  	s10 =	sld [smem:$0x3FB8];
	_ =	sdelay $0x3  }
0x36: {  	p1 =	seq.s32 s10, $0x1;
	s10 =	sld [smem:$0x3FB9];
	_ =	sdelay $0x3  }
0x37: {  	[smem:$0x3FB9] =	sst s10  }
0x38: {  	s10 =	sld [smem:$0x3FBA]  }
0x39: {  	_ = 	snop;
	(pc) =	sbr.ind lr, $3  }
0x3a: {  	_ = 	snop  }
0x3b: {  	_ = 	snop  }
0x3c: {  	p2 =	seq.s32 s10, $0x1;
	s10 =	sld [smem:$0x3FB9]  }
0x3d: {  	_ =	shalt  }
0x3e: {  	_ =	shalt  }
0x3f: {  	_ =	shalt  }
0x40: {  	_ =	shalt  }
0x41: {  	_ =	shalt  }
0x42: {  	_ =	shalt  }
0x43: {  	_ =	shalt  }
0x44: {  	_ =	shalt  }
0x45: {  	_ =	shalt  }
0x46: {  	_ =	shalt  }
0x47: {  	_ =	shalt  }
0x48: {  	_ =	shalt  }
0x49: {  	_ =	shalt  }
0x4a: {  	_ =	shalt  }
0x4b: {  	_ =	shalt  }
0x4c: {  	_ =	shalt  }
0x4d: {  	_ =	shalt  }
0x4e: {  	_ =	shalt  }
0x4f: {  	_ =	shalt  }
0x50: {  	_ =	shalt  }
0x51: {  	_ =	shalt  }
0x52: {  	_ =	shalt  }
0x53: {  	_ =	shalt  }
0x54: {  	_ =	shalt  }
0x55: {  	_ =	shalt  }
0x56: {  	_ =	shalt  }
0x57: {  	_ =	shalt  }
0x58: {  	_ =	shalt  }
0x59: {  	_ =	shalt  }
0x5a: {  	_ =	shalt  }
0x5b: {  	_ =	shalt  }
0x5c: {  	_ =	shalt  }
0x5d: {  	_ =	shalt  }
0x5e: {  	_ =	shalt  }
0x5f: {  	_ =	shalt  }
0x60: {  	_ =	shalt  }
0x61: {  	_ =	shalt  }
0x62: {  	_ =	shalt  }
0x63: {  	_ =	shalt  }
0x64: {  	_ =	shalt  }
0x65: {  	_ =	shalt  }
0x66: {  	_ =	shalt  }
0x67: {  	_ =	shalt  }
0x68: {  	_ =	shalt  }
0x69: {  	_ =	shalt  }
0x6a: {  	_ =	shalt  }
0x6b: {  	_ =	shalt  }
0x6c: {  	_ =	shalt  }
0x6d: {  	_ =	shalt  }
0x6e: {  	_ =	shalt  }
0x6f: {  	_ =	shalt  }
0x70: {  	_ =	shalt  }
0x71: {  	_ =	shalt  }
0x72: {  	_ =	shalt  }
0x73: {  	_ =	shalt  }
0x74: {  	_ =	shalt  }
0x75: {  	_ =	shalt  }
0x76: {  	_ =	shalt  }
0x77: {  	_ =	shalt  }
0x78: {  	_ =	shalt  }
0x79: {  	_ =	shalt  }
0x7a: {  	_ =	shalt  }
0x7b: {  	_ =	shalt  }
0x7c: {  	_ =	shalt  }
0x7d: {  	_ =	shalt  }
0x7e: {  	_ =	shalt  }
0x7f: {  	_ =	shalt  }
0x80: {  	_ =	shalt  }
0x81: {  	_ =	shalt  }
0x82: {  	_ =	shalt  }
0x83: {  	_ =	shalt  }
0x84: {  	_ =	shalt  }
0x85: {  	_ =	shalt  }
0x86: {  	_ =	shalt  }
0x87: {  	_ =	shalt  }
.Lfunc_end0:
.L_simem_size_0:
called_computation_lowered:
.L_overlay_start_0:
0x88: {  	s2 =	sld [smem:$0x3FD9]  }
0x89: {  	s3 =	sld [smem:$0x3FFE];
	_ =	sdelay $0x1  }
0x8a: {  	s1 =	srdreg.scid  }
0x8b: {  	s0 =	sand.u32 $0x1, s1  }
0x8c: {  	s17 =	sshll.u32 s0, $0xA;
	s2 =	sadd.s32 s3, s2  }
0x8d: {  	s2 =	sadd.s32 s2, s17  }
0x8e: {  	[smem:$0x3FC5] =	sst s2  }
0x8f: {  	_ = 	snop  }
0x90: {  	s2 =	sld [smem:$0x3FD0];
	(tm) =	ssettm $0x1  }
0x91: {  	s18 =	sld [smem:$0x3FFB];
	_ =	sdelay $0x3  }
0x92: {  	_ =	strace s18  }
0x93: {  	s3 =	sld [smem:$0x3FFC];
	_ =	sdelay $0x3  }
0x94: {  	_ =	strace s3  }
0x95: {  	s3 =	sld [smem:$0x3FFD];
	_ =	sdelay $0x3  }
0x96: {  	_ =	strace s3  }
0x97: {  	_ =	strace $0x8FFFFFFF  }
0x98: {  	s19 =	sld [smem:$0x3FDB];
	_ =	sdelay $0x1  }
0x99: {  	s4 =	simm.s32 $_scs_section_size  }
0x9a: {  	s5 =	simm.s32 $_size__tile_overlayer_lowered;
	s6 =	simm.s32 $_tile_overlayer_lowered  }
0x9b: {  	s22 =	simm.s32 $0x1BFF;
	s21 =	sshll.u32 s6, $0x1;
	s3 =	sadd.s32 s4, s19  }
0x9c: {  	s7 =	simm.s32 $0x0;
	s20 =	sshll.u32 s5, $0x1;
	s5 =	sadd.s32 s21, s3  }
0x9d: {  	[timem:s7], [sflag:s22] =	dma.local [hbm:s5], s20  }
0x9e: {  	_ =	swait.ge [sflag:s22], s20  }
0x9f: {  	s4 =	ssub.s32 $0x0, s20;
	[sflag:s22] =	ssyncset.done $0x0  }
0xa0: {  	[sflag:s22] =	ssyncadd.s32 s4;
	_ =	sdelay $0x1  }
0xa1: {  	s23 =	simm.s32 $0x1B8B  }
0xa2: {  	_ =	swait.ge [sflag:s23], $0x1  }
0xa3: {  	[sflag:s23] =	ssyncset.done $0x0  }
0xa4: {  	s25 =	simm.s32 $0x1B8E;
	s24 =	sld [smem:$0x3FFE];
	[sflag:s23] =	ssyncadd.s32 $0xFFFFFFFF  }
0xa5: {  	s26 =	simm.s32 $execute0_lowered;
	[smem:$0x3FD2] =	sst s25  }
0xa6: {  	s5 =	sshll.u32 s26, $0x1;
	_ =	strace $0x80000046;
	[dreg:$0x1] =	wrdreg $0xFFFFFFFF  }
0xa7: {  	s28 =	simm.s32 $_size_execute0_lowered;
	s3 =	sadd.s32 s3, s5;
	[dreg:$0x0] =	wrdreg $0x0  }
0xa8: {  	s5 =	sshll.u32 s28, $0x1;
	[dreg:$0x2] =	wrdreg s3  }
0xa9: {  	[dreg:$0x3] =	wrdreg s5  }
0xaa: {  	[dreg:$0x4] =	wrdreg $0xC0  }
0xab: {  	_ =	task [dreg:s7], $0x5FFFF  }
0xac: {  	[dreg:$0x1] =	wrdreg $0xFFFFFFFF  }
0xad: {  	[dreg:$0x0] =	wrdreg $0x60  }
0xae: {  	[dreg:$0x2] =	wrdreg s2  }
0xaf: {  	[dreg:$0x3] =	wrdreg s24  }
0xb0: {  	[dreg:$0x4] =	wrdreg $0xA0800  }
0xb1: {  	[dreg:$0x5] =	wrdreg $0x9  }
0xb2: {  	_ =	task.clear_ibuf [dreg:s7], $0x6FFFF;
	_ =	strace $0x90000046  }
0xb3: {  	s29 =	simm.s32 $0x9;
	_ =	strace $0x80000048  }
0xb4: {  	_ =	swait.ge [sflag:s29], $0x1  }
0xb5: {  	[sflag:s29] =	ssyncadd.s32 $0xFFFFFFFF  }
0xb6: {  	_ =	strace $0x90000048  }
0xb7: {  	_ =	sfence  }
0xb8: {  	s30 =	sld [smem:$0x0];
	_ =	sdelay $0x2  }
0xb9: {  	s31 =	sshll.u32 s1, $0xD;
	s1 =	sshrl.u32 s1, $0x2  }
0xba: {  	s3 =	sand.u32 $0x4000, s31;
	s1 =	sadd.s32 s1, s30  }
0xbb: {  	s0 =	sor.u32 s3, s0;
	s1 =	sshll.u32 s1, $0x11  }
0xbc: {  	s0 =	sor.u32 s1, s0  }
0xbd: {  	s0 =	sadd.s32 $0x8F2B, s0  }
0xbe: {  	[sflag:s0] =	ssyncadd.remote.s32 $0x1  }
0xbf: {  	_ =	sfence.sel $0xFFFF  }
0xc0: {  	[dreg:$0x0] =	wrdreg $0xFFFFFFFF;
	(pc) =	sbr.abs _section_cstart, $3  }
0xc1: {  	[dreg:$0x1] =	wrdreg $0xFFFFFFFF  }
0xc2: {  	_ =	task.clear_ibuf [dreg:s7], $0x2FFFF;
	_ =	strace $0x9FFFFFFF  }
0xc3: {  	(tm) =	ssettm $0x7FFFFFFF  }
tec
execute0_lowered:
.L_overlay_start_1:
0x0: {  	(tag) =	ssettag $0x1  }
0x1: {  	s7 =	rddreg [dreg:$0x0]  }
0x2: {  	s5 =	rddreg [dreg:$0x1]  }
0x3: {  	s2 =	rddreg [dreg:$0x2]  }
0x4: {  	s0 =	rddreg [dreg:$0x3];
	s3 =	simm.s32 $0x0;
	s1 =	stileid.u32  }
0x5: {  	s4 =	srdreg.scid;
	s14 =	simm.s32 $0x80;
	s15 =	simm.s32 $0x20  }
0x6: {  	s16 =	simm.s32 $0x10;
	s17 =	simm.s32 $0x0;
	s6 =	smul.u32 $0x180, s1  }
0x7: {  	[smem:$0x7FF] =	sst s3;
	s8 =	sand.u32 $0x1, s4;
	s9 =	smul.u32 $0x300, s1  }
0x8: {  	s4 =	sadd.s32 $0x1400, s5;
	s13 =	smul.u32 $0x1400, s1;
	s31 =	sshll.u32 s1, $0x6  }
0x9: {  	_ =	strace $0x80000047;
	s11 =	sshll.u32 s8, $0x7;
	s29 =	ssub.s32 $0x2, s8  }
0xa: {  	s8 =	smul.u32 $0x14000, s8;
	s10 =	sshrl.u32 s6, $0x3;
	s9 =	sor.u32 s11, s9  }
0xb: {  	s12 =	sshrl.u32 s29, $0x1;
	s30 =	sadd.s32 s6, s2;
	s6 =	sor.u32 $0x1C01, s31  }
0xc: {  	s7 =	sadd.s32 s7, s13;
	s13 =	simm.s32 $0xA000;
	s10 =	sadd.s32 s10, s5  }
0xd: {  	s9 =	sshrl.u32 s9, $0x3;
	s11 =	ssub.s32 s29, s12;
	s8 =	sshrl.u32 s8, $0x2  }
0xe: {  	s12 =	simm.s32 $0x1;
	s9 =	sadd.s32 s9, s5;
	s5 =	sadd.s32 $0x1600, s10  }
0xf: {  	s10 =	smax.u32 s11, $0x1;
	s11 =	sshrl.u32 s30, $0x3;
	s9 =	sadd.s32 $0x1A00, s9  }
.LBB2_1:
0x10: {  	[spmem:s11], [sflag:s6] =	dma.local [hbm:s5], $0x30  }
0x11: {  	_ =	swait.ge [sflag:s12], $0x30  }
0x12: {  	[sflag:s12] =	ssyncset.done $0x0  }
0x13: {  	[sflag:s12] =	ssyncadd.s32 $0xFFFFFFD0  }
0x14: {  	[tilespmem:s13], [sflag:$0x1] =	stream.linear.gather [hbm4b:s4+s3], $0x80, $0x38;
	[tilespmem:$0xA200] =	vst v63  }
0x15: {  	_ =	swait.ge [sflag:s12], $0x80  }
0x16: {  	[sflag:s12] =	ssyncset.done $0x0  }
0x17: {  	[sflag:s12] =	ssyncadd.s32 $0xFFFFFF80  }
0x18: {  	[tilespmem:s3], [sflag:$0x1] =	stream.linear.gather [hbm4b:s7+s3], $0xA000, $0x38;
	[tilespmem:$0xA200] =	vst v63  }
0x19: {  	_ =	swait.ge [sflag:s12], $0xA000  }
0x1a: {  	[sflag:s12] =	ssyncset.done $0x0  }
0x1b: {  	[sflag:s12] =	ssyncadd.s32 $0xFFFF6000  }
0x1c: {  	s18 =	sadd.s32 $0x0, s8;
	[bflag:$0x0] =	sbarrier.arrive $0xFFFF  }
0x1d: {  	[spmem:s2] =	stream.indirect.scatter.add.f32 [tilespmem:s13], [sflag:$0x1], $0x1, s18, s14, $0xb8;
	[tilespmem:$0xA200] =	vst v63  }
0x1e: {  	s18 =	simm.s32 $0x200;
	_ =	swait.ge [sflag:s12], $0x80  }
.LBB2_2:
0x1f: {  	s19 =	sshra.s32 s18, $0x2;
	[sflag:s12] =	ssyncset.done $0x0;
	p0 =	sne.s32 s18, $0x13E00  }
.Ltmp0:
0x20: {  	s19 =	sadd.s32 s19, s8;
	[sflag:s12] =	ssyncadd.s32 $0xFFFFFF80;
	(pc) =	sbr.rel @p0 .LBB2_2-.Ltmp0, $3  }
0x21: {  	[spmem:s2] =	stream.indirect.scatter.add.f32 [tilespmem:s13], [sflag:$0x1], $0x1, s19, s14, $0xb8;
	[tilespmem:$0xA200] =	vst v63  }
0x22: {  	s18 =	sadd.s32 $0x200, s18;
	_ =	sdelay $0x1  }
0x23: {  	_ =	swait.ge [sflag:s12], $0x80  }
0x24: {  	[sflag:s12] =	ssyncset.done $0x0;
	s17 =	sadd.s32 $0x1, s17  }
0x25: {  	[sflag:s12] =	ssyncadd.s32 $0xFFFFFF80;
	p0 =	sne.s32 s17, s10  }
.Ltmp1:
0x26: {  	[bflag:$0x0] =	sbarrier.arrive $0xFFFF;
	(pc) =	sbr.rel @p0 .LBB2_1-.Ltmp1, $4  }
0x27: {  	[hbm:s9@s15], [sflag:s6] =	dma.strided [spmem:s11@s16], $0x30, s12, $0x10   }
0x28: {  	_ =	swait.ge [sflag:s12], $0x30  }
0x29: {  	[sflag:s12] =	ssyncset.done $0x0  }
0x2a: {  	[sflag:s12] =	ssyncadd.s32 $0xFFFFFFD0  }
0x2b: {  	_ =	sfence.sel $0x180000  }
0x2c: {  	[bflag:$0x0] =	sbarrier.arrive $0xFFFF  }
0x2d: {  	p0 =	sne.s32 s1, $0x0;
	_ =	strace $0x90000047  }
0x2e: {  	s0 =	sadd.s32 @!p0 $0x100000, s0;
	[bflag:$0x2] =	sbarrier.arrive $0xFFFF  }
0x2f: {  	[sflag:s0] =	ssyncadd.tile.s32 @!p0 $0x1;
	_ =	shalt  }
.Lfunc_end2:
_tile_overlayer_lowered:
.L_overlay_start_2:
0x30: {  	(tag) =	ssettag $0x2  }
0x31: {  	s0 =	rddreg [dreg:$0x0];
	s2 =	stileid.u32  }
0x32: {  	s1 =	rddreg [dreg:$0x1];
	p0 =	sne.s32 s2, $0x0  }
0x33: {  	s3 =	rddreg [dreg:$0x2];
	[bflag:$0x3] =	sbarrier.arrive $0xFFFF;
	s2 =	simm.s32 @!p0 $0x1C01  }
0x34: {  	[timem:s3], [sflag:s2] =	dma.local @!p0 [hbm:s0], s1  }
0x35: {  	s0 =	simm.s32 @!p0 $0x1  }
0x36: {  	_ =	swait.ge @!p0 [sflag:s0], s1  }
0x37: {  	s1 =	ssub.s32 @!p0 $0x0, s1;
	[sflag:s0] =	ssyncset.done @!p0 $0x0  }
0x38: {  	[sflag:s0] =	ssyncadd.s32 @!p0 s1  }
0x39: {  	[bflag:$0x3] =	sbarrier.arrive $0xFFFF  }
0x3a: {  	_ =	shalt  }

</sc_bundles>
